<compile_context>
chip_gen: v7x
topology: tpu7x:2x2x1
jax: 0.10.2.dev20260603
libtpu: 0.0.44.dev20260713+nightly
codegen_flags: <defaults>
</compile_context>

<pallas_src>
import functools

import jax
import jax.numpy as jnp
from jax import lax
from jax.experimental import pallas as pl
from jax.experimental.pallas import tpu as pltpu
from jax.experimental.pallas import tpu_sc as plsc

NC = 2
NS = 16
NW = NC * NS
L = 16
BLK = 128

TAB_SCALE = 128.0
TAB_BIAS = 4352.0
TAB_N = 8705
TAB_PAD = 9216


def _c_tc_body(mu_ref, ls_ref, eps_ref, c_ref, tab_ref):
    c_ref[...] = mu_ref[...] + jnp.exp(ls_ref[...]) * eps_ref[...]
    rows, cols = tab_ref.shape
    r = lax.broadcasted_iota(jnp.int32, (rows, cols), 0)
    cc = lax.broadcasted_iota(jnp.int32, (rows, cols), 1)
    flat = jnp.minimum(r * cols + cc, TAB_N - 1).astype(jnp.float32)
    xs = (flat - TAB_BIAS) * (1.0 / TAB_SCALE)
    tab_ref[...] = jnp.log(jax.nn.sigmoid(xs) + 1e-8)


def _edge_group(ebuf, off, c_v, tab_v, acc):
    ii = ebuf[pl.ds(off, L)]
    jj = ebuf[pl.ds(off + BLK, L)]
    ci = plsc.load_gather(c_v, [ii])
    cj = plsc.load_gather(c_v, [jj])
    x = ci * cj
    v = x * TAB_SCALE + (TAB_BIAS + 0.5)
    v = jnp.minimum(jnp.maximum(v, 0.0), TAB_N - 1.0)
    k = v.astype(jnp.int32)
    return acc + plsc.load_gather(tab_v, [k])


def _make_sc_loglik(n_edges, n_pad):
    assert n_edges % BLK == 0
    n_blocks = n_edges // BLK
    bpt = n_blocks // NW
    n_extra = n_blocks - bpt * NW
    cblk = 1
    for cand in range(16, 1, -1):
        if bpt % cand == 0 and (bpt // cand) % 2 == 0:
            cblk = cand
            break
    n_chunks = bpt // cblk
    assert n_chunks % 2 == 0
    cwords = cblk * 2 * BLK
    gpb = BLK // L

    mesh = plsc.VectorSubcoreMesh(
        core_axis_name="c", subcore_axis_name="s",
        num_cores=NC, num_subcores=NS)

    @functools.partial(
        pl.kernel,
        out_type=jax.ShapeDtypeStruct((NW, L), jnp.float32),
        mesh=mesh,
        compiler_params=pltpu.CompilerParams(needs_layout_passes=False),
        scratch_types=[
            pltpu.VMEM((n_pad,), jnp.float32),
            pltpu.VMEM((TAB_PAD,), jnp.float32),
            pltpu.VMEM((cwords,), jnp.int32),
            pltpu.VMEM((cwords,), jnp.int32),
            pltpu.VMEM((L,), jnp.float32),
            pltpu.SemaphoreType.DMA,
            pltpu.SemaphoreType.DMA,
        ],
    )
    def sc_loglik(edges_hbm, c_hbm, tab_hbm, out_hbm, c_v, tab_v,
                  ebuf0, ebuf1, acc_v, sem0, sem1):
        cid = lax.axis_index("c")
        sid = lax.axis_index("s")
        wid = sid * NC + cid
        base_word = wid * (bpt * 2 * BLK)

        def chunk_src(k):
            w0 = pl.multiple_of(base_word + k * cwords, 8)
            return edges_hbm.at[pl.ds(w0, cwords)]

        pltpu.make_async_copy(chunk_src(0), ebuf0, sem0).start()
        pltpu.make_async_copy(chunk_src(1), ebuf1, sem1).start()
        pltpu.sync_copy(c_hbm, c_v)
        pltpu.sync_copy(tab_hbm, tab_v)

        def process_chunk(ebuf, accs):
            def gp_body(q, a):
                ob = (q >> 1) * (2 * BLK) + (q & 1) * (4 * L)
                return tuple(
                    _edge_group(ebuf, ob + i * L, c_v, tab_v, a[i])
                    for i in range(4))
            return plsc.parallel_loop(0, cblk * 2, unroll=2,
                                      carry=accs)(gp_body)

        def pair_body(k, accs):
            pltpu.make_async_copy(chunk_src(2 * k), ebuf0, sem0).wait()
            accs = process_chunk(ebuf0, accs)

            @pl.when(k < n_chunks // 2 - 1)
            def _():
                pltpu.make_async_copy(chunk_src(2 * k + 2), ebuf0,
                                      sem0).start()

            pltpu.make_async_copy(chunk_src(2 * k + 1), ebuf1, sem1).wait()
            accs = process_chunk(ebuf1, accs)

            @pl.when(k < n_chunks // 2 - 1)
            def _():
                pltpu.make_async_copy(chunk_src(2 * k + 3), ebuf1,
                                      sem1).start()

            return accs

        zf = jnp.zeros((L,), jnp.float32)
        zeros = (zf,) * 4
        accs = lax.fori_loop(0, n_chunks // 2, pair_body, zeros)

        if n_extra:
            has_extra = wid < n_extra
            bex = NW * bpt + jnp.where(has_extra, wid, 0) - \
                jnp.where(has_extra, 0, n_extra)
            wex = pl.multiple_of(bex * (2 * BLK), 8)
            pltpu.sync_copy(edges_hbm.at[pl.ds(wex, 2 * BLK)],
                            ebuf0.at[pl.ds(0, 2 * BLK)])
            ex = [_edge_group(ebuf0, i * L, c_v, tab_v, zf)
                  for i in range(gpb)]
            etot = ((ex[0] + ex[1]) + (ex[2] + ex[3])) + \
                ((ex[4] + ex[5]) + (ex[6] + ex[7]))
            scale = jnp.where(has_extra, 1.0, 0.0)
            accs = (accs[0] + scale * etot,) + accs[1:]

        acc_v[...] = (accs[0] + accs[1]) + (accs[2] + accs[3])
        pltpu.sync_copy(acc_v, out_hbm.at[wid])

    return sc_loglik


def kernel(edges, n_samples, eps, mu, log_sigma):
    n = mu.shape[0]
    n_edges = edges.shape[0]
    n_pad = ((n + 1023) // 1024) * 1024
    rows = n_pad // 128
    mu2 = jnp.pad(mu, (0, n_pad - n)).reshape(rows, 128)
    ls2 = jnp.pad(log_sigma, (0, n_pad - n)).reshape(rows, 128)
    eps2 = jnp.pad(eps[0], (0, n_pad - n)).reshape(rows, 128)
    c2, tab2 = pl.pallas_call(
        _c_tc_body,
        out_shape=(jax.ShapeDtypeStruct((rows, 128), jnp.float32),
                   jax.ShapeDtypeStruct((TAB_PAD // 128, 128), jnp.float32)),
    )(mu2, ls2, eps2)
    c = c2.reshape(-1)
    tab = tab2.reshape(-1)
    ef = edges.reshape(n_edges // BLK, BLK, 2).transpose(0, 2, 1).reshape(-1)
    partials = _make_sc_loglik(n_edges, n_pad)(ef, c, tab)
    return jnp.sum(partials)

# --- scband reference (transcript-rebuilt; emitter-appended) ---
"""Pipeline reference for scband-vbnetwork-centrality-73126113181907 (READ-ONLY COPY).

The authoritative reference and input builder live on the scoring server;
editing this copy changes nothing except your own understanding.
"""

import jax, jax.numpy as jnp
import numpy as np

N_NODES = 100000
N_EDGES = 6400000
N_SAMPLES = 1


def setup_inputs(seed: int = 0) -> dict:
    key = jax.random.key(seed)
    k1, k2 = jax.random.split(key, 2)
    edges = jax.random.randint(k1, (N_EDGES, 2), 0, N_NODES, dtype=jnp.int32)
    eps = jax.random.normal(k2, (N_SAMPLES, N_NODES), dtype=jnp.float32)
    # learned parameters, initialized as in the torch module (zeros)
    mu = jnp.zeros((N_NODES,), dtype=jnp.float32)
    log_sigma = jnp.zeros((N_NODES,), dtype=jnp.float32)
    return {"edges": edges, "n_samples": N_SAMPLES, "eps": eps, "mu": mu, "log_sigma": log_sigma}


def reference(edges, n_samples, eps, mu, log_sigma):
    # c_samples = mu + sigma * eps, shape [S, N]
    sigma = jnp.exp(log_sigma)
    c_samples = mu[None, :] + sigma[None, :] * eps
    # vectorized form of: for (i, j) in edges: loglik += log(sigmoid(c[:,i]*c[:,j]) + 1e-8).mean()
    ci = jnp.take(c_samples, edges[:, 0], axis=1)  # [S, E] gather
    cj = jnp.take(c_samples, edges[:, 1], axis=1)  # [S, E] gather
    p = jax.nn.sigmoid(ci * cj)
    loglik = jnp.sum(jnp.mean(jnp.log(p + 1e-8), axis=0))
    return loglik

if __name__ == "__main__":
    import jax
    _d = setup_inputs()
    print(jax.jit(kernel)(*tuple(_d.values())))

</pallas_src>

<mosaic_0001>
#map = affine_map<(d0, d1) -> (0)>
#map1 = affine_map<(d0, d1) -> (0, 0)>
module attributes {stable_mosaic.version = 14 : i64} {
  func.func @sc_loglik(%arg0: i32, %arg1: i32, %arg2: memref<12800000xi32, #tpu.memory_space<hbm>>, %arg3: memref<100352xf32, #tpu.memory_space<hbm>>, %arg4: memref<9216xf32, #tpu.memory_space<hbm>>, %arg5: memref<32x16xf32, #tpu.memory_space<hbm>>, %arg6: memref<100352xf32, #tpu.memory_space<vmem>>, %arg7: memref<9216xf32, #tpu.memory_space<vmem>>, %arg8: memref<2816xi32, #tpu.memory_space<vmem>>, %arg9: memref<2816xi32, #tpu.memory_space<vmem>>, %arg10: memref<16xf32, #tpu.memory_space<vmem>>, %arg11: memref<!tpu.dma_semaphore, #tpu.memory_space<semaphore_mem>>, %arg12: memref<!tpu.dma_semaphore, #tpu.memory_space<semaphore_mem>>) attributes {dimension_semantics = [#tpu.dimension_semantics<core_parallel>, #tpu.dimension_semantics<subcore_parallel>], iteration_bounds = array<i64: 2, 16>, scalar_prefetch = 0 : i64, scratch_operands = 7 : i64, tpu.core_type = #tpu.core_type<sc_vector_subcore>, window_params = [{transform_indices = #map}, {transform_indices = #map}, {transform_indices = #map}, {transform_indices = #map1}]} {
    %mul3A = arith.constant 2 : i32
    %mul3A_0 = arith.muli %arg1, %mul3A : i32
    %add3A = arith.addi %mul3A_0, %arg0 : i32
    %mul3A_1 = arith.constant 399872 : i32
    %mul3A_2 = arith.muli %add3A, %mul3A_1 : i32
    %add3A_3 = arith.constant 0 : i32
    %add3A_4 = arith.addi %mul3A_2, %add3A_3 : i32
    %multiple_of3A = tpu.assume_multiple %add3A_4, 8 : i32
    %dma_start3A = tpu.memref_slice %arg2[%multiple_of3A] : memref<12800000xi32, #tpu.memory_space<hbm>> -> memref<2816xi32, #tpu.memory_space<hbm>>
    %dma_start3A_5 = tpu.memref_slice %arg2[%multiple_of3A] : memref<12800000xi32, #tpu.memory_space<hbm>> -> memref<2816xi32, #tpu.memory_space<hbm>>
    tpu.enqueue_dma source(%dma_start3A_5 : memref<2816xi32, #tpu.memory_space<hbm>>) target(%arg8 : memref<2816xi32, #tpu.memory_space<vmem>>) target_semaphore(%arg11 : memref<!tpu.dma_semaphore, #tpu.memory_space<semaphore_mem>>)
    %add3A_6 = arith.constant 2816 : i32
    %add3A_7 = arith.addi %mul3A_2, %add3A_6 : i32
    %multiple_of3A_8 = tpu.assume_multiple %add3A_7, 8 : i32
    %dma_start3A_9 = tpu.memref_slice %arg2[%multiple_of3A_8] : memref<12800000xi32, #tpu.memory_space<hbm>> -> memref<2816xi32, #tpu.memory_space<hbm>>
    %dma_start3A_10 = tpu.memref_slice %arg2[%multiple_of3A_8] : memref<12800000xi32, #tpu.memory_space<hbm>> -> memref<2816xi32, #tpu.memory_space<hbm>>
    tpu.enqueue_dma source(%dma_start3A_10 : memref<2816xi32, #tpu.memory_space<hbm>>) target(%arg9 : memref<2816xi32, #tpu.memory_space<vmem>>) target_semaphore(%arg12 : memref<!tpu.dma_semaphore, #tpu.memory_space<semaphore_mem>>)
    "tpu.region"() ({
      %run_scoped3A = tpu.sem_alloc : memref<!tpu.dma_semaphore, #tpu.memory_space<semaphore_mem>>
      tpu.enqueue_dma source(%arg3 : memref<100352xf32, #tpu.memory_space<hbm>>) target(%arg6 : memref<100352xf32, #tpu.memory_space<vmem>>) target_semaphore(%run_scoped3A : memref<!tpu.dma_semaphore, #tpu.memory_space<semaphore_mem>>)
      tpu.wait_dma2 semaphore(%run_scoped3A : memref<!tpu.dma_semaphore, #tpu.memory_space<semaphore_mem>>) src(%arg3 : memref<100352xf32, #tpu.memory_space<hbm>>) dst(%arg6 : memref<100352xf32, #tpu.memory_space<vmem>>)
      tpu.yield
    }) : () -> ()
    "tpu.region"() ({
      %run_scoped3A = tpu.sem_alloc : memref<!tpu.dma_semaphore, #tpu.memory_space<semaphore_mem>>
      tpu.enqueue_dma source(%arg4 : memref<9216xf32, #tpu.memory_space<hbm>>) target(%arg7 : memref<9216xf32, #tpu.memory_space<vmem>>) target_semaphore(%run_scoped3A : memref<!tpu.dma_semaphore, #tpu.memory_space<semaphore_mem>>)
      tpu.wait_dma2 semaphore(%run_scoped3A : memref<!tpu.dma_semaphore, #tpu.memory_space<semaphore_mem>>) src(%arg4 : memref<9216xf32, #tpu.memory_space<hbm>>) dst(%arg7 : memref<9216xf32, #tpu.memory_space<vmem>>)
      tpu.yield
    }) : () -> ()
    %broadcast_in_dim3A = arith.constant 0.000000e+00 : f32
    %broadcast_in_dim3A_11 = vector.broadcast %broadcast_in_dim3A : f32 to vector<16xf32>
    %scan3A = arith.constant 0 : i32
    %scan3A_12 = arith.constant 71 : i32
    %scan3A_13 = arith.addi %scan3A, %scan3A_12 : i32
    %scan3A_14 = arith.constant 1 : i32
    %scan3A_15:4 = scf.for %scan3A_214 = %scan3A to %scan3A_13 step %scan3A_14 iter_args(%scan3A_215 = %broadcast_in_dim3A_11, %scan3A_216 = %broadcast_in_dim3A_11, %scan3A_217 = %broadcast_in_dim3A_11, %scan3A_218 = %broadcast_in_dim3A_11) -> (vector<16xf32>, vector<16xf32>, vector<16xf32>, vector<16xf32>)  : i32 {
      %mul3A_219 = arith.constant 2 : i32
      %mul3A_220 = arith.muli %mul3A_219, %scan3A_214 : i32
      %mul3A_221 = arith.constant 2816 : i32
      %mul3A_222 = arith.muli %mul3A_220, %mul3A_221 : i32
      %add3A_223 = arith.addi %mul3A_2, %mul3A_222 : i32
      %multiple_of3A_224 = tpu.assume_multiple %add3A_223, 8 : i32
      %dma_wait3A = tpu.memref_slice %arg2[%multiple_of3A_224] : memref<12800000xi32, #tpu.memory_space<hbm>> -> memref<2816xi32, #tpu.memory_space<hbm>>
      %dma_wait3A_225 = tpu.memref_slice %arg2[%multiple_of3A_224] : memref<12800000xi32, #tpu.memory_space<hbm>> -> memref<2816xi32, #tpu.memory_space<hbm>>
      tpu.wait_dma2 semaphore(%arg11 : memref<!tpu.dma_semaphore, #tpu.memory_space<semaphore_mem>>) src(%dma_wait3A_225 : memref<2816xi32, #tpu.memory_space<hbm>>) dst(%arg8 : memref<2816xi32, #tpu.memory_space<vmem>>)
      %parallel_loop3A = arith.constant 0 : i32
      %parallel_loop3A_226 = arith.constant 22 : i32
      %parallel_loop3A_227 = arith.constant 1 : i32
      %parallel_loop3A_228:4 = scf.for %parallel_loop3A_252 = %parallel_loop3A to %parallel_loop3A_226 step %parallel_loop3A_227 iter_args(%parallel_loop3A_253 = %scan3A_215, %parallel_loop3A_254 = %scan3A_216, %parallel_loop3A_255 = %scan3A_217, %parallel_loop3A_256 = %scan3A_218) -> (vector<16xf32>, vector<16xf32>, vector<16xf32>, vector<16xf32>)  : i32 {
        %parallel_loop3A_257 = arith.constant 1 : i32
        %parallel_loop3A_258 = arith.shrsi %parallel_loop3A_252, %parallel_loop3A_257 : i32
        %parallel_loop3A_259 = arith.constant 256 : i32
        %parallel_loop3A_260 = arith.muli %parallel_loop3A_258, %parallel_loop3A_259 : i32
        %parallel_loop3A_261 = arith.constant 1 : i32
        %parallel_loop3A_262 = arith.andi %parallel_loop3A_252, %parallel_loop3A_261 : i32
        %parallel_loop3A_263 = arith.constant 64 : i32
        %parallel_loop3A_264 = arith.muli %parallel_loop3A_262, %parallel_loop3A_263 : i32
        %parallel_loop3A_265 = arith.addi %parallel_loop3A_260, %parallel_loop3A_264 : i32
        %parallel_loop3A_266 = arith.constant 0 : i32
        %parallel_loop3A_267 = arith.addi %parallel_loop3A_265, %parallel_loop3A_266 : i32
        %parallel_loop3A_268 = arith.index_cast %parallel_loop3A_267 : i32 to index
        %parallel_loop3A_269 = tpu.vector_load %arg8[%parallel_loop3A_268] {strides = array<i32>} : memref<2816xi32, #tpu.memory_space<vmem>>, vector<16xi32>,
        %parallel_loop3A_270 = arith.constant 128 : i32
        %parallel_loop3A_271 = arith.addi %parallel_loop3A_267, %parallel_loop3A_270 : i32
        %parallel_loop3A_272 = arith.index_cast %parallel_loop3A_271 : i32 to index
        %parallel_loop3A_273 = tpu.vector_load %arg8[%parallel_loop3A_272] {strides = array<i32>} : memref<2816xi32, #tpu.memory_space<vmem>>, vector<16xi32>,
        %parallel_loop3A_274 = tpu.vector_load_idx %arg6[%parallel_loop3A_269] : memref<100352xf32, #tpu.memory_space<vmem>>[vector<16xi32>], vector<16xf32>,
        %parallel_loop3A_275 = tpu.vector_load_idx %arg6[%parallel_loop3A_273] : memref<100352xf32, #tpu.memory_space<vmem>>[vector<16xi32>], vector<16xf32>,
        %parallel_loop3A_276 = arith.mulf %parallel_loop3A_274, %parallel_loop3A_275 : vector<16xf32>
        %parallel_loop3A_277 = arith.constant 1.280000e+02 : f32
        %parallel_loop3A_278 = vector.broadcast %parallel_loop3A_277 : f32 to vector<16xf32>
        %parallel_loop3A_279 = arith.mulf %parallel_loop3A_276, %parallel_loop3A_278 : vector<16xf32>
        %parallel_loop3A_280 = arith.constant 4.352500e+03 : f32
        %parallel_loop3A_281 = vector.broadcast %parallel_loop3A_280 : f32 to vector<16xf32>
        %parallel_loop3A_282 = arith.addf %parallel_loop3A_279, %parallel_loop3A_281 : vector<16xf32>
        %parallel_loop3A_283 = arith.constant 0.000000e+00 : f32
        %parallel_loop3A_284 = vector.broadcast %parallel_loop3A_283 : f32 to vector<16xf32>
        %parallel_loop3A_285 = arith.maximumf %parallel_loop3A_282, %parallel_loop3A_284 : vector<16xf32>
        %parallel_loop3A_286 = arith.constant 8.704000e+03 : f32
        %parallel_loop3A_287 = vector.broadcast %parallel_loop3A_286 : f32 to vector<16xf32>
        %parallel_loop3A_288 = arith.minimumf %parallel_loop3A_285, %parallel_loop3A_287 : vector<16xf32>
        %parallel_loop3A_289 = arith.fptosi %parallel_loop3A_288 : vector<16xf32> to vector<16xi32>
        %parallel_loop3A_290 = tpu.vector_load_idx %arg7[%parallel_loop3A_289] : memref<9216xf32, #tpu.memory_space<vmem>>[vector<16xi32>], vector<16xf32>,
        %parallel_loop3A_291 = arith.addf %parallel_loop3A_253, %parallel_loop3A_290 : vector<16xf32>
        %parallel_loop3A_292 = arith.constant 16 : i32
        %parallel_loop3A_293 = arith.addi %parallel_loop3A_265, %parallel_loop3A_292 : i32
        %parallel_loop3A_294 = arith.index_cast %parallel_loop3A_293 : i32 to index
        %parallel_loop3A_295 = tpu.vector_load %arg8[%parallel_loop3A_294] {strides = array<i32>} : memref<2816xi32, #tpu.memory_space<vmem>>, vector<16xi32>,
        %parallel_loop3A_296 = arith.constant 128 : i32
        %parallel_loop3A_297 = arith.addi %parallel_loop3A_293, %parallel_loop3A_296 : i32
        %parallel_loop3A_298 = arith.index_cast %parallel_loop3A_297 : i32 to index
        %parallel_loop3A_299 = tpu.vector_load %arg8[%parallel_loop3A_298] {strides = array<i32>} : memref<2816xi32, #tpu.memory_space<vmem>>, vector<16xi32>,
        %parallel_loop3A_300 = tpu.vector_load_idx %arg6[%parallel_loop3A_295] : memref<100352xf32, #tpu.memory_space<vmem>>[vector<16xi32>], vector<16xf32>,
        %parallel_loop3A_301 = tpu.vector_load_idx %arg6[%parallel_loop3A_299] : memref<100352xf32, #tpu.memory_space<vmem>>[vector<16xi32>], vector<16xf32>,
        %parallel_loop3A_302 = arith.mulf %parallel_loop3A_300, %parallel_loop3A_301 : vector<16xf32>
        %parallel_loop3A_303 = arith.constant 1.280000e+02 : f32
        %parallel_loop3A_304 = vector.broadcast %parallel_loop3A_303 : f32 to vector<16xf32>
        %parallel_loop3A_305 = arith.mulf %parallel_loop3A_302, %parallel_loop3A_304 : vector<16xf32>
        %parallel_loop3A_306 = arith.constant 4.352500e+03 : f32
        %parallel_loop3A_307 = vector.broadcast %parallel_loop3A_306 : f32 to vector<16xf32>
        %parallel_loop3A_308 = arith.addf %parallel_loop3A_305, %parallel_loop3A_307 : vector<16xf32>
        %parallel_loop3A_309 = arith.constant 0.000000e+00 : f32
        %parallel_loop3A_310 = vector.broadcast %parallel_loop3A_309 : f32 to vector<16xf32>
        %parallel_loop3A_311 = arith.maximumf %parallel_loop3A_308, %parallel_loop3A_310 : vector<16xf32>
        %parallel_loop3A_312 = arith.constant 8.704000e+03 : f32
        %parallel_loop3A_313 = vector.broadcast %parallel_loop3A_312 : f32 to vector<16xf32>
        %parallel_loop3A_314 = arith.minimumf %parallel_loop3A_311, %parallel_loop3A_313 : vector<16xf32>
        %parallel_loop3A_315 = arith.fptosi %parallel_loop3A_314 : vector<16xf32> to vector<16xi32>
        %parallel_loop3A_316 = tpu.vector_load_idx %arg7[%parallel_loop3A_315] : memref<9216xf32, #tpu.memory_space<vmem>>[vector<16xi32>], vector<16xf32>,
        %parallel_loop3A_317 = arith.addf %parallel_loop3A_254, %parallel_loop3A_316 : vector<16xf32>
        %parallel_loop3A_318 = arith.constant 32 : i32
        %parallel_loop3A_319 = arith.addi %parallel_loop3A_265, %parallel_loop3A_318 : i32
        %parallel_loop3A_320 = arith.index_cast %parallel_loop3A_319 : i32 to index
        %parallel_loop3A_321 = tpu.vector_load %arg8[%parallel_loop3A_320] {strides = array<i32>} : memref<2816xi32, #tpu.memory_space<vmem>>, vector<16xi32>,
        %parallel_loop3A_322 = arith.constant 128 : i32
        %parallel_loop3A_323 = arith.addi %parallel_loop3A_319, %parallel_loop3A_322 : i32
        %parallel_loop3A_324 = arith.index_cast %parallel_loop3A_323 : i32 to index
        %parallel_loop3A_325 = tpu.vector_load %arg8[%parallel_loop3A_324] {strides = array<i32>} : memref<2816xi32, #tpu.memory_space<vmem>>, vector<16xi32>,
        %parallel_loop3A_326 = tpu.vector_load_idx %arg6[%parallel_loop3A_321] : memref<100352xf32, #tpu.memory_space<vmem>>[vector<16xi32>], vector<16xf32>,
        %parallel_loop3A_327 = tpu.vector_load_idx %arg6[%parallel_loop3A_325] : memref<100352xf32, #tpu.memory_space<vmem>>[vector<16xi32>], vector<16xf32>,
        %parallel_loop3A_328 = arith.mulf %parallel_loop3A_326, %parallel_loop3A_327 : vector<16xf32>
        %parallel_loop3A_329 = arith.constant 1.280000e+02 : f32
        %parallel_loop3A_330 = vector.broadcast %parallel_loop3A_329 : f32 to vector<16xf32>
        %parallel_loop3A_331 = arith.mulf %parallel_loop3A_328, %parallel_loop3A_330 : vector<16xf32>
        %parallel_loop3A_332 = arith.constant 4.352500e+03 : f32
        %parallel_loop3A_333 = vector.broadcast %parallel_loop3A_332 : f32 to vector<16xf32>
        %parallel_loop3A_334 = arith.addf %parallel_loop3A_331, %parallel_loop3A_333 : vector<16xf32>
        %parallel_loop3A_335 = arith.constant 0.000000e+00 : f32
        %parallel_loop3A_336 = vector.broadcast %parallel_loop3A_335 : f32 to vector<16xf32>
        %parallel_loop3A_337 = arith.maximumf %parallel_loop3A_334, %parallel_loop3A_336 : vector<16xf32>
        %parallel_loop3A_338 = arith.constant 8.704000e+03 : f32
        %parallel_loop3A_339 = vector.broadcast %parallel_loop3A_338 : f32 to vector<16xf32>
        %parallel_loop3A_340 = arith.minimumf %parallel_loop3A_337, %parallel_loop3A_339 : vector<16xf32>
        %parallel_loop3A_341 = arith.fptosi %parallel_loop3A_340 : vector<16xf32> to vector<16xi32>
        %parallel_loop3A_342 = tpu.vector_load_idx %arg7[%parallel_loop3A_341] : memref<9216xf32, #tpu.memory_space<vmem>>[vector<16xi32>], vector<16xf32>,
        %parallel_loop3A_343 = arith.addf %parallel_loop3A_255, %parallel_loop3A_342 : vector<16xf32>
        %parallel_loop3A_344 = arith.constant 48 : i32
        %parallel_loop3A_345 = arith.addi %parallel_loop3A_265, %parallel_loop3A_344 : i32
        %parallel_loop3A_346 = arith.index_cast %parallel_loop3A_345 : i32 to index
        %parallel_loop3A_347 = tpu.vector_load %arg8[%parallel_loop3A_346] {strides = array<i32>} : memref<2816xi32, #tpu.memory_space<vmem>>, vector<16xi32>,
        %parallel_loop3A_348 = arith.constant 128 : i32
        %parallel_loop3A_349 = arith.addi %parallel_loop3A_345, %parallel_loop3A_348 : i32
        %parallel_loop3A_350 = arith.index_cast %parallel_loop3A_349 : i32 to index
        %parallel_loop3A_351 = tpu.vector_load %arg8[%parallel_loop3A_350] {strides = array<i32>} : memref<2816xi32, #tpu.memory_space<vmem>>, vector<16xi32>,
        %parallel_loop3A_352 = tpu.vector_load_idx %arg6[%parallel_loop3A_347] : memref<100352xf32, #tpu.memory_space<vmem>>[vector<16xi32>], vector<16xf32>,
        %parallel_loop3A_353 = tpu.vector_load_idx %arg6[%parallel_loop3A_351] : memref<100352xf32, #tpu.memory_space<vmem>>[vector<16xi32>], vector<16xf32>,
        %parallel_loop3A_354 = arith.mulf %parallel_loop3A_352, %parallel_loop3A_353 : vector<16xf32>
        %parallel_loop3A_355 = arith.constant 1.280000e+02 : f32
        %parallel_loop3A_356 = vector.broadcast %parallel_loop3A_355 : f32 to vector<16xf32>
        %parallel_loop3A_357 = arith.mulf %parallel_loop3A_354, %parallel_loop3A_356 : vector<16xf32>
        %parallel_loop3A_358 = arith.constant 4.352500e+03 : f32
        %parallel_loop3A_359 = vector.broadcast %parallel_loop3A_358 : f32 to vector<16xf32>
        %parallel_loop3A_360 = arith.addf %parallel_loop3A_357, %parallel_loop3A_359 : vector<16xf32>
        %parallel_loop3A_361 = arith.constant 0.000000e+00 : f32
        %parallel_loop3A_362 = vector.broadcast %parallel_loop3A_361 : f32 to vector<16xf32>
        %parallel_loop3A_363 = arith.maximumf %parallel_loop3A_360, %parallel_loop3A_362 : vector<16xf32>
        %parallel_loop3A_364 = arith.constant 8.704000e+03 : f32
        %parallel_loop3A_365 = vector.broadcast %parallel_loop3A_364 : f32 to vector<16xf32>
        %parallel_loop3A_366 = arith.minimumf %parallel_loop3A_363, %parallel_loop3A_365 : vector<16xf32>
        %parallel_loop3A_367 = arith.fptosi %parallel_loop3A_366 : vector<16xf32> to vector<16xi32>
        %parallel_loop3A_368 = tpu.vector_load_idx %arg7[%parallel_loop3A_367] : memref<9216xf32, #tpu.memory_space<vmem>>[vector<16xi32>], vector<16xf32>,
        %parallel_loop3A_369 = arith.addf %parallel_loop3A_256, %parallel_loop3A_368 : vector<16xf32>
        scf.yield %parallel_loop3A_291, %parallel_loop3A_317, %parallel_loop3A_343, %parallel_loop3A_369 : vector<16xf32>, vector<16xf32>, vector<16xf32>, vector<16xf32>
      } {sc.loop_unroll_factor = 2 : i64, sc.parallel_access}
      %lt3A_229 = arith.constant 70 : i32
      %lt3A_230 = arith.cmpi slt, %scan3A_214, %lt3A_229 : i32
      %convert_element_type3A_231 = arith.extui %lt3A_230 : i1 to i32
      %cond3A = arith.constant 0 : i32
      %cond3A_232 = arith.cmpi ne, %convert_element_type3A_231, %cond3A : i32
      scf.if %cond3A_232 {
        %mul3A_252 = arith.constant 2 : i32
        %mul3A_253 = arith.muli %mul3A_252, %scan3A_214 : i32
        %add3A_254 = arith.constant 2 : i32
        %add3A_255 = arith.addi %mul3A_253, %add3A_254 : i32
        %mul3A_256 = arith.constant 2816 : i32
        %mul3A_257 = arith.muli %add3A_255, %mul3A_256 : i32
        %add3A_258 = arith.addi %mul3A_2, %mul3A_257 : i32
        %multiple_of3A_259 = tpu.assume_multiple %add3A_258, 8 : i32
        %dma_start3A_260 = tpu.memref_slice %arg2[%multiple_of3A_259] : memref<12800000xi32, #tpu.memory_space<hbm>> -> memref<2816xi32, #tpu.memory_space<hbm>>
        %dma_start3A_261 = tpu.memref_slice %arg2[%multiple_of3A_259] : memref<12800000xi32, #tpu.memory_space<hbm>> -> memref<2816xi32, #tpu.memory_space<hbm>>
        tpu.enqueue_dma source(%dma_start3A_261 : memref<2816xi32, #tpu.memory_space<hbm>>) target(%arg8 : memref<2816xi32, #tpu.memory_space<vmem>>) target_semaphore(%arg11 : memref<!tpu.dma_semaphore, #tpu.memory_space<semaphore_mem>>)
      } else {
      }
      %mul3A_233 = arith.constant 2 : i32
      %mul3A_234 = arith.muli %mul3A_233, %scan3A_214 : i32
      %add3A_235 = arith.constant 1 : i32
      %add3A_236 = arith.addi %mul3A_234, %add3A_235 : i32
      %mul3A_237 = arith.constant 2816 : i32
      %mul3A_238 = arith.muli %add3A_236, %mul3A_237 : i32
      %add3A_239 = arith.addi %mul3A_2, %mul3A_238 : i32
      %multiple_of3A_240 = tpu.assume_multiple %add3A_239, 8 : i32
      %dma_wait3A_241 = tpu.memref_slice %arg2[%multiple_of3A_240] : memref<12800000xi32, #tpu.memory_space<hbm>> -> memref<2816xi32, #tpu.memory_space<hbm>>
      %dma_wait3A_242 = tpu.memref_slice %arg2[%multiple_of3A_240] : memref<12800000xi32, #tpu.memory_space<hbm>> -> memref<2816xi32, #tpu.memory_space<hbm>>
      tpu.wait_dma2 semaphore(%arg12 : memref<!tpu.dma_semaphore, #tpu.memory_space<semaphore_mem>>) src(%dma_wait3A_242 : memref<2816xi32, #tpu.memory_space<hbm>>) dst(%arg9 : memref<2816xi32, #tpu.memory_space<vmem>>)
      %parallel_loop3A_243 = arith.constant 0 : i32
      %parallel_loop3A_244 = arith.constant 22 : i32
      %parallel_loop3A_245 = arith.constant 1 : i32
      %parallel_loop3A_246:4 = scf.for %parallel_loop3A_252 = %parallel_loop3A_243 to %parallel_loop3A_244 step %parallel_loop3A_245 iter_args(%parallel_loop3A_253 = %parallel_loop3A_228#0, %parallel_loop3A_254 = %parallel_loop3A_228#1, %parallel_loop3A_255 = %parallel_loop3A_228#2, %parallel_loop3A_256 = %parallel_loop3A_228#3) -> (vector<16xf32>, vector<16xf32>, vector<16xf32>, vector<16xf32>)  : i32 {
        %parallel_loop3A_257 = arith.constant 1 : i32
        %parallel_loop3A_258 = arith.shrsi %parallel_loop3A_252, %parallel_loop3A_257 : i32
        %parallel_loop3A_259 = arith.constant 256 : i32
        %parallel_loop3A_260 = arith.muli %parallel_loop3A_258, %parallel_loop3A_259 : i32
        %parallel_loop3A_261 = arith.constant 1 : i32
        %parallel_loop3A_262 = arith.andi %parallel_loop3A_252, %parallel_loop3A_261 : i32
        %parallel_loop3A_263 = arith.constant 64 : i32
        %parallel_loop3A_264 = arith.muli %parallel_loop3A_262, %parallel_loop3A_263 : i32
        %parallel_loop3A_265 = arith.addi %parallel_loop3A_260, %parallel_loop3A_264 : i32
        %parallel_loop3A_266 = arith.constant 0 : i32
        %parallel_loop3A_267 = arith.addi %parallel_loop3A_265, %parallel_loop3A_266 : i32
        %parallel_loop3A_268 = arith.index_cast %parallel_loop3A_267 : i32 to index
        %parallel_loop3A_269 = tpu.vector_load %arg9[%parallel_loop3A_268] {strides = array<i32>} : memref<2816xi32, #tpu.memory_space<vmem>>, vector<16xi32>,
        %parallel_loop3A_270 = arith.constant 128 : i32
        %parallel_loop3A_271 = arith.addi %parallel_loop3A_267, %parallel_loop3A_270 : i32
        %parallel_loop3A_272 = arith.index_cast %parallel_loop3A_271 : i32 to index
        %parallel_loop3A_273 = tpu.vector_load %arg9[%parallel_loop3A_272] {strides = array<i32>} : memref<2816xi32, #tpu.memory_space<vmem>>, vector<16xi32>,
        %parallel_loop3A_274 = tpu.vector_load_idx %arg6[%parallel_loop3A_269] : memref<100352xf32, #tpu.memory_space<vmem>>[vector<16xi32>], vector<16xf32>,
        %parallel_loop3A_275 = tpu.vector_load_idx %arg6[%parallel_loop3A_273] : memref<100352xf32, #tpu.memory_space<vmem>>[vector<16xi32>], vector<16xf32>,
        %parallel_loop3A_276 = arith.mulf %parallel_loop3A_274, %parallel_loop3A_275 : vector<16xf32>
        %parallel_loop3A_277 = arith.constant 1.280000e+02 : f32
        %parallel_loop3A_278 = vector.broadcast %parallel_loop3A_277 : f32 to vector<16xf32>
        %parallel_loop3A_279 = arith.mulf %parallel_loop3A_276, %parallel_loop3A_278 : vector<16xf32>
        %parallel_loop3A_280 = arith.constant 4.352500e+03 : f32
        %parallel_loop3A_281 = vector.broadcast %parallel_loop3A_280 : f32 to vector<16xf32>
        %parallel_loop3A_282 = arith.addf %parallel_loop3A_279, %parallel_loop3A_281 : vector<16xf32>
        %parallel_loop3A_283 = arith.constant 0.000000e+00 : f32
        %parallel_loop3A_284 = vector.broadcast %parallel_loop3A_283 : f32 to vector<16xf32>
        %parallel_loop3A_285 = arith.maximumf %parallel_loop3A_282, %parallel_loop3A_284 : vector<16xf32>
        %parallel_loop3A_286 = arith.constant 8.704000e+03 : f32
        %parallel_loop3A_287 = vector.broadcast %parallel_loop3A_286 : f32 to vector<16xf32>
        %parallel_loop3A_288 = arith.minimumf %parallel_loop3A_285, %parallel_loop3A_287 : vector<16xf32>
        %parallel_loop3A_289 = arith.fptosi %parallel_loop3A_288 : vector<16xf32> to vector<16xi32>
        %parallel_loop3A_290 = tpu.vector_load_idx %arg7[%parallel_loop3A_289] : memref<9216xf32, #tpu.memory_space<vmem>>[vector<16xi32>], vector<16xf32>,
        %parallel_loop3A_291 = arith.addf %parallel_loop3A_253, %parallel_loop3A_290 : vector<16xf32>
        %parallel_loop3A_292 = arith.constant 16 : i32
        %parallel_loop3A_293 = arith.addi %parallel_loop3A_265, %parallel_loop3A_292 : i32
        %parallel_loop3A_294 = arith.index_cast %parallel_loop3A_293 : i32 to index
        %parallel_loop3A_295 = tpu.vector_load %arg9[%parallel_loop3A_294] {strides = array<i32>} : memref<2816xi32, #tpu.memory_space<vmem>>, vector<16xi32>,
        %parallel_loop3A_296 = arith.constant 128 : i32
        %parallel_loop3A_297 = arith.addi %parallel_loop3A_293, %parallel_loop3A_296 : i32
        %parallel_loop3A_298 = arith.index_cast %parallel_loop3A_297 : i32 to index
        %parallel_loop3A_299 = tpu.vector_load %arg9[%parallel_loop3A_298] {strides = array<i32>} : memref<2816xi32, #tpu.memory_space<vmem>>, vector<16xi32>,
        %parallel_loop3A_300 = tpu.vector_load_idx %arg6[%parallel_loop3A_295] : memref<100352xf32, #tpu.memory_space<vmem>>[vector<16xi32>], vector<16xf32>,
        %parallel_loop3A_301 = tpu.vector_load_idx %arg6[%parallel_loop3A_299] : memref<100352xf32, #tpu.memory_space<vmem>>[vector<16xi32>], vector<16xf32>,
        %parallel_loop3A_302 = arith.mulf %parallel_loop3A_300, %parallel_loop3A_301 : vector<16xf32>
        %parallel_loop3A_303 = arith.constant 1.280000e+02 : f32
        %parallel_loop3A_304 = vector.broadcast %parallel_loop3A_303 : f32 to vector<16xf32>
        %parallel_loop3A_305 = arith.mulf %parallel_loop3A_302, %parallel_loop3A_304 : vector<16xf32>
        %parallel_loop3A_306 = arith.constant 4.352500e+03 : f32
        %parallel_loop3A_307 = vector.broadcast %parallel_loop3A_306 : f32 to vector<16xf32>
        %parallel_loop3A_308 = arith.addf %parallel_loop3A_305, %parallel_loop3A_307 : vector<16xf32>
        %parallel_loop3A_309 = arith.constant 0.000000e+00 : f32
        %parallel_loop3A_310 = vector.broadcast %parallel_loop3A_309 : f32 to vector<16xf32>
        %parallel_loop3A_311 = arith.maximumf %parallel_loop3A_308, %parallel_loop3A_310 : vector<16xf32>
        %parallel_loop3A_312 = arith.constant 8.704000e+03 : f32
        %parallel_loop3A_313 = vector.broadcast %parallel_loop3A_312 : f32 to vector<16xf32>
        %parallel_loop3A_314 = arith.minimumf %parallel_loop3A_311, %parallel_loop3A_313 : vector<16xf32>
        %parallel_loop3A_315 = arith.fptosi %parallel_loop3A_314 : vector<16xf32> to vector<16xi32>
        %parallel_loop3A_316 = tpu.vector_load_idx %arg7[%parallel_loop3A_315] : memref<9216xf32, #tpu.memory_space<vmem>>[vector<16xi32>], vector<16xf32>,
        %parallel_loop3A_317 = arith.addf %parallel_loop3A_254, %parallel_loop3A_316 : vector<16xf32>
        %parallel_loop3A_318 = arith.constant 32 : i32
        %parallel_loop3A_319 = arith.addi %parallel_loop3A_265, %parallel_loop3A_318 : i32
        %parallel_loop3A_320 = arith.index_cast %parallel_loop3A_319 : i32 to index
        %parallel_loop3A_321 = tpu.vector_load %arg9[%parallel_loop3A_320] {strides = array<i32>} : memref<2816xi32, #tpu.memory_space<vmem>>, vector<16xi32>,
        %parallel_loop3A_322 = arith.constant 128 : i32
        %parallel_loop3A_323 = arith.addi %parallel_loop3A_319, %parallel_loop3A_322 : i32
        %parallel_loop3A_324 = arith.index_cast %parallel_loop3A_323 : i32 to index
        %parallel_loop3A_325 = tpu.vector_load %arg9[%parallel_loop3A_324] {strides = array<i32>} : memref<2816xi32, #tpu.memory_space<vmem>>, vector<16xi32>,
        %parallel_loop3A_326 = tpu.vector_load_idx %arg6[%parallel_loop3A_321] : memref<100352xf32, #tpu.memory_space<vmem>>[vector<16xi32>], vector<16xf32>,
        %parallel_loop3A_327 = tpu.vector_load_idx %arg6[%parallel_loop3A_325] : memref<100352xf32, #tpu.memory_space<vmem>>[vector<16xi32>], vector<16xf32>,
        %parallel_loop3A_328 = arith.mulf %parallel_loop3A_326, %parallel_loop3A_327 : vector<16xf32>
        %parallel_loop3A_329 = arith.constant 1.280000e+02 : f32
        %parallel_loop3A_330 = vector.broadcast %parallel_loop3A_329 : f32 to vector<16xf32>
        %parallel_loop3A_331 = arith.mulf %parallel_loop3A_328, %parallel_loop3A_330 : vector<16xf32>
        %parallel_loop3A_332 = arith.constant 4.352500e+03 : f32
        %parallel_loop3A_333 = vector.broadcast %parallel_loop3A_332 : f32 to vector<16xf32>
        %parallel_loop3A_334 = arith.addf %parallel_loop3A_331, %parallel_loop3A_333 : vector<16xf32>
        %parallel_loop3A_335 = arith.constant 0.000000e+00 : f32
        %parallel_loop3A_336 = vector.broadcast %parallel_loop3A_335 : f32 to vector<16xf32>
        %parallel_loop3A_337 = arith.maximumf %parallel_loop3A_334, %parallel_loop3A_336 : vector<16xf32>
        %parallel_loop3A_338 = arith.constant 8.704000e+03 : f32
        %parallel_loop3A_339 = vector.broadcast %parallel_loop3A_338 : f32 to vector<16xf32>
        %parallel_loop3A_340 = arith.minimumf %parallel_loop3A_337, %parallel_loop3A_339 : vector<16xf32>
        %parallel_loop3A_341 = arith.fptosi %parallel_loop3A_340 : vector<16xf32> to vector<16xi32>
        %parallel_loop3A_342 = tpu.vector_load_idx %arg7[%parallel_loop3A_341] : memref<9216xf32, #tpu.memory_space<vmem>>[vector<16xi32>], vector<16xf32>,
        %parallel_loop3A_343 = arith.addf %parallel_loop3A_255, %parallel_loop3A_342 : vector<16xf32>
        %parallel_loop3A_344 = arith.constant 48 : i32
        %parallel_loop3A_345 = arith.addi %parallel_loop3A_265, %parallel_loop3A_344 : i32
        %parallel_loop3A_346 = arith.index_cast %parallel_loop3A_345 : i32 to index
        %parallel_loop3A_347 = tpu.vector_load %arg9[%parallel_loop3A_346] {strides = array<i32>} : memref<2816xi32, #tpu.memory_space<vmem>>, vector<16xi32>,
        %parallel_loop3A_348 = arith.constant 128 : i32
        %parallel_loop3A_349 = arith.addi %parallel_loop3A_345, %parallel_loop3A_348 : i32
        %parallel_loop3A_350 = arith.index_cast %parallel_loop3A_349 : i32 to index
        %parallel_loop3A_351 = tpu.vector_load %arg9[%parallel_loop3A_350] {strides = array<i32>} : memref<2816xi32, #tpu.memory_space<vmem>>, vector<16xi32>,
        %parallel_loop3A_352 = tpu.vector_load_idx %arg6[%parallel_loop3A_347] : memref<100352xf32, #tpu.memory_space<vmem>>[vector<16xi32>], vector<16xf32>,
        %parallel_loop3A_353 = tpu.vector_load_idx %arg6[%parallel_loop3A_351] : memref<100352xf32, #tpu.memory_space<vmem>>[vector<16xi32>], vector<16xf32>,
        %parallel_loop3A_354 = arith.mulf %parallel_loop3A_352, %parallel_loop3A_353 : vector<16xf32>
        %parallel_loop3A_355 = arith.constant 1.280000e+02 : f32
        %parallel_loop3A_356 = vector.broadcast %parallel_loop3A_355 : f32 to vector<16xf32>
        %parallel_loop3A_357 = arith.mulf %parallel_loop3A_354, %parallel_loop3A_356 : vector<16xf32>
        %parallel_loop3A_358 = arith.constant 4.352500e+03 : f32
        %parallel_loop3A_359 = vector.broadcast %parallel_loop3A_358 : f32 to vector<16xf32>
        %parallel_loop3A_360 = arith.addf %parallel_loop3A_357, %parallel_loop3A_359 : vector<16xf32>
        %parallel_loop3A_361 = arith.constant 0.000000e+00 : f32
        %parallel_loop3A_362 = vector.broadcast %parallel_loop3A_361 : f32 to vector<16xf32>
        %parallel_loop3A_363 = arith.maximumf %parallel_loop3A_360, %parallel_loop3A_362 : vector<16xf32>
        %parallel_loop3A_364 = arith.constant 8.704000e+03 : f32
        %parallel_loop3A_365 = vector.broadcast %parallel_loop3A_364 : f32 to vector<16xf32>
        %parallel_loop3A_366 = arith.minimumf %parallel_loop3A_363, %parallel_loop3A_365 : vector<16xf32>
        %parallel_loop3A_367 = arith.fptosi %parallel_loop3A_366 : vector<16xf32> to vector<16xi32>
        %parallel_loop3A_368 = tpu.vector_load_idx %arg7[%parallel_loop3A_367] : memref<9216xf32, #tpu.memory_space<vmem>>[vector<16xi32>], vector<16xf32>,
        %parallel_loop3A_369 = arith.addf %parallel_loop3A_256, %parallel_loop3A_368 : vector<16xf32>
        scf.yield %parallel_loop3A_291, %parallel_loop3A_317, %parallel_loop3A_343, %parallel_loop3A_369 : vector<16xf32>, vector<16xf32>, vector<16xf32>, vector<16xf32>
      } {sc.loop_unroll_factor = 2 : i64, sc.parallel_access}
      %lt3A_247 = arith.constant 70 : i32
      %lt3A_248 = arith.cmpi slt, %scan3A_214, %lt3A_247 : i32
      %convert_element_type3A_249 = arith.extui %lt3A_248 : i1 to i32
      %cond3A_250 = arith.constant 0 : i32
      %cond3A_251 = arith.cmpi ne, %convert_element_type3A_249, %cond3A_250 : i32
      scf.if %cond3A_251 {
        %mul3A_252 = arith.constant 2 : i32
        %mul3A_253 = arith.muli %mul3A_252, %scan3A_214 : i32
        %add3A_254 = arith.constant 3 : i32
        %add3A_255 = arith.addi %mul3A_253, %add3A_254 : i32
        %mul3A_256 = arith.constant 2816 : i32
        %mul3A_257 = arith.muli %add3A_255, %mul3A_256 : i32
        %add3A_258 = arith.addi %mul3A_2, %mul3A_257 : i32
        %multiple_of3A_259 = tpu.assume_multiple %add3A_258, 8 : i32
        %dma_start3A_260 = tpu.memref_slice %arg2[%multiple_of3A_259] : memref<12800000xi32, #tpu.memory_space<hbm>> -> memref<2816xi32, #tpu.memory_space<hbm>>
        %dma_start3A_261 = tpu.memref_slice %arg2[%multiple_of3A_259] : memref<12800000xi32, #tpu.memory_space<hbm>> -> memref<2816xi32, #tpu.memory_space<hbm>>
        tpu.enqueue_dma source(%dma_start3A_261 : memref<2816xi32, #tpu.memory_space<hbm>>) target(%arg9 : memref<2816xi32, #tpu.memory_space<vmem>>) target_semaphore(%arg12 : memref<!tpu.dma_semaphore, #tpu.memory_space<semaphore_mem>>)
      } else {
      }
      scf.yield %parallel_loop3A_246#0, %parallel_loop3A_246#1, %parallel_loop3A_246#2, %parallel_loop3A_246#3 : vector<16xf32>, vector<16xf32>, vector<16xf32>, vector<16xf32>
    }
    %scan3A_16 = arith.constant 71 : i32
    %lt3A = arith.constant 16 : i32
    %lt3A_17 = arith.cmpi slt, %add3A, %lt3A : i32
    %jit3A = arith.constant 0 : i32
    %select_n3A = arith.select %lt3A_17, %add3A, %jit3A : i32
    %add3A_18 = arith.constant 49984 : i32
    %add3A_19 = arith.addi %add3A_18, %select_n3A : i32
    %jit3A_20 = arith.constant 0 : i32
    %jit3A_21 = arith.constant 16 : i32
    %select_n3A_22 = arith.select %lt3A_17, %jit3A_20, %jit3A_21 : i32
    %sub3A = arith.subi %add3A_19, %select_n3A_22 : i32
    %mul3A_23 = arith.constant 256 : i32
    %mul3A_24 = arith.muli %sub3A, %mul3A_23 : i32
    %multiple_of3A_25 = tpu.assume_multiple %mul3A_24, 8 : i32
    "tpu.region"() ({
      %run_scoped3A = tpu.sem_alloc : memref<!tpu.dma_semaphore, #tpu.memory_space<semaphore_mem>>
      %dma_start3A_214 = arith.constant 0 : i32
      %dma_start3A_215 = tpu.memref_slice %arg8[%dma_start3A_214] : memref<2816xi32, #tpu.memory_space<vmem>> -> memref<256xi32, #tpu.memory_space<vmem>>
      %dma_start3A_216 = tpu.memref_slice %arg2[%multiple_of3A_25] : memref<12800000xi32, #tpu.memory_space<hbm>> -> memref<256xi32, #tpu.memory_space<hbm>>
      %dma_start3A_217 = arith.constant 0 : i32
      %dma_start3A_218 = tpu.memref_slice %arg8[%dma_start3A_217] : memref<2816xi32, #tpu.memory_space<vmem>> -> memref<256xi32, #tpu.memory_space<vmem>>
      %dma_start3A_219 = tpu.memref_slice %arg2[%multiple_of3A_25] : memref<12800000xi32, #tpu.memory_space<hbm>> -> memref<256xi32, #tpu.memory_space<hbm>>
      tpu.enqueue_dma source(%dma_start3A_219 : memref<256xi32, #tpu.memory_space<hbm>>) target(%dma_start3A_218 : memref<256xi32, #tpu.memory_space<vmem>>) target_semaphore(%run_scoped3A : memref<!tpu.dma_semaphore, #tpu.memory_space<semaphore_mem>>)
      %dma_wait3A = arith.constant 0 : i32
      %dma_wait3A_220 = tpu.memref_slice %arg8[%dma_wait3A] : memref<2816xi32, #tpu.memory_space<vmem>> -> memref<256xi32, #tpu.memory_space<vmem>>
      %dma_wait3A_221 = tpu.memref_slice %arg2[%multiple_of3A_25] : memref<12800000xi32, #tpu.memory_space<hbm>> -> memref<256xi32, #tpu.memory_space<hbm>>
      %dma_wait3A_222 = arith.constant 0 : i32
      %dma_wait3A_223 = tpu.memref_slice %arg8[%dma_wait3A_222] : memref<2816xi32, #tpu.memory_space<vmem>> -> memref<256xi32, #tpu.memory_space<vmem>>
      %dma_wait3A_224 = tpu.memref_slice %arg2[%multiple_of3A_25] : memref<12800000xi32, #tpu.memory_space<hbm>> -> memref<256xi32, #tpu.memory_space<hbm>>
      tpu.wait_dma2 semaphore(%run_scoped3A : memref<!tpu.dma_semaphore, #tpu.memory_space<semaphore_mem>>) src(%dma_wait3A_224 : memref<256xi32, #tpu.memory_space<hbm>>) dst(%dma_wait3A_223 : memref<256xi32, #tpu.memory_space<vmem>>)
      tpu.yield
    }) : () -> ()
    %get3A = arith.constant 0 : index
    %get3A_26 = tpu.vector_load %arg8[%get3A] {strides = array<i32>} : memref<2816xi32, #tpu.memory_space<vmem>>, vector<16xi32>,
    %get3A_27 = arith.constant 128 : index
    %get3A_28 = tpu.vector_load %arg8[%get3A_27] {strides = array<i32>} : memref<2816xi32, #tpu.memory_space<vmem>>, vector<16xi32>,
    %gather3A = tpu.vector_load_idx %arg6[%get3A_26] : memref<100352xf32, #tpu.memory_space<vmem>>[vector<16xi32>], vector<16xf32>,
    %gather3A_29 = tpu.vector_load_idx %arg6[%get3A_28] : memref<100352xf32, #tpu.memory_space<vmem>>[vector<16xi32>], vector<16xf32>,
    %mul3A_30 = arith.mulf %gather3A, %gather3A_29 : vector<16xf32>
    %mul3A_31 = arith.constant 1.280000e+02 : f32
    %mul3A_32 = vector.broadcast %mul3A_31 : f32 to vector<16xf32>
    %mul3A_33 = arith.mulf %mul3A_30, %mul3A_32 : vector<16xf32>
    %add3A_34 = arith.constant 4.352500e+03 : f32
    %add3A_35 = vector.broadcast %add3A_34 : f32 to vector<16xf32>
    %add3A_36 = arith.addf %mul3A_33, %add3A_35 : vector<16xf32>
    %max3A = arith.constant 0.000000e+00 : f32
    %max3A_37 = vector.broadcast %max3A : f32 to vector<16xf32>
    %max3A_38 = arith.maximumf %add3A_36, %max3A_37 : vector<16xf32>
    %min3A = arith.constant 8.704000e+03 : f32
    %min3A_39 = vector.broadcast %min3A : f32 to vector<16xf32>
    %min3A_40 = arith.minimumf %max3A_38, %min3A_39 : vector<16xf32>
    %convert_element_type3A = arith.fptosi %min3A_40 : vector<16xf32> to vector<16xi32>
    %gather3A_41 = tpu.vector_load_idx %arg7[%convert_element_type3A] : memref<9216xf32, #tpu.memory_space<vmem>>[vector<16xi32>], vector<16xf32>,
    %add3A_42 = arith.addf %broadcast_in_dim3A_11, %gather3A_41 : vector<16xf32>
    %get3A_43 = arith.constant 16 : index
    %get3A_44 = tpu.vector_load %arg8[%get3A_43] {strides = array<i32>} : memref<2816xi32, #tpu.memory_space<vmem>>, vector<16xi32>,
    %get3A_45 = arith.constant 144 : index
    %get3A_46 = tpu.vector_load %arg8[%get3A_45] {strides = array<i32>} : memref<2816xi32, #tpu.memory_space<vmem>>, vector<16xi32>,
    %gather3A_47 = tpu.vector_load_idx %arg6[%get3A_44] : memref<100352xf32, #tpu.memory_space<vmem>>[vector<16xi32>], vector<16xf32>,
    %gather3A_48 = tpu.vector_load_idx %arg6[%get3A_46] : memref<100352xf32, #tpu.memory_space<vmem>>[vector<16xi32>], vector<16xf32>,
    %mul3A_49 = arith.mulf %gather3A_47, %gather3A_48 : vector<16xf32>
    %mul3A_50 = arith.constant 1.280000e+02 : f32
    %mul3A_51 = vector.broadcast %mul3A_50 : f32 to vector<16xf32>
    %mul3A_52 = arith.mulf %mul3A_49, %mul3A_51 : vector<16xf32>
    %add3A_53 = arith.constant 4.352500e+03 : f32
    %add3A_54 = vector.broadcast %add3A_53 : f32 to vector<16xf32>
    %add3A_55 = arith.addf %mul3A_52, %add3A_54 : vector<16xf32>
    %max3A_56 = arith.constant 0.000000e+00 : f32
    %max3A_57 = vector.broadcast %max3A_56 : f32 to vector<16xf32>
    %max3A_58 = arith.maximumf %add3A_55, %max3A_57 : vector<16xf32>
    %min3A_59 = arith.constant 8.704000e+03 : f32
    %min3A_60 = vector.broadcast %min3A_59 : f32 to vector<16xf32>
    %min3A_61 = arith.minimumf %max3A_58, %min3A_60 : vector<16xf32>
    %convert_element_type3A_62 = arith.fptosi %min3A_61 : vector<16xf32> to vector<16xi32>
    %gather3A_63 = tpu.vector_load_idx %arg7[%convert_element_type3A_62] : memref<9216xf32, #tpu.memory_space<vmem>>[vector<16xi32>], vector<16xf32>,
    %add3A_64 = arith.addf %broadcast_in_dim3A_11, %gather3A_63 : vector<16xf32>
    %get3A_65 = arith.constant 32 : index
    %get3A_66 = tpu.vector_load %arg8[%get3A_65] {strides = array<i32>} : memref<2816xi32, #tpu.memory_space<vmem>>, vector<16xi32>,
    %get3A_67 = arith.constant 160 : index
    %get3A_68 = tpu.vector_load %arg8[%get3A_67] {strides = array<i32>} : memref<2816xi32, #tpu.memory_space<vmem>>, vector<16xi32>,
    %gather3A_69 = tpu.vector_load_idx %arg6[%get3A_66] : memref<100352xf32, #tpu.memory_space<vmem>>[vector<16xi32>], vector<16xf32>,
    %gather3A_70 = tpu.vector_load_idx %arg6[%get3A_68] : memref<100352xf32, #tpu.memory_space<vmem>>[vector<16xi32>], vector<16xf32>,
    %mul3A_71 = arith.mulf %gather3A_69, %gather3A_70 : vector<16xf32>
    %mul3A_72 = arith.constant 1.280000e+02 : f32
    %mul3A_73 = vector.broadcast %mul3A_72 : f32 to vector<16xf32>
    %mul3A_74 = arith.mulf %mul3A_71, %mul3A_73 : vector<16xf32>
    %add3A_75 = arith.constant 4.352500e+03 : f32
    %add3A_76 = vector.broadcast %add3A_75 : f32 to vector<16xf32>
    %add3A_77 = arith.addf %mul3A_74, %add3A_76 : vector<16xf32>
    %max3A_78 = arith.constant 0.000000e+00 : f32
    %max3A_79 = vector.broadcast %max3A_78 : f32 to vector<16xf32>
    %max3A_80 = arith.maximumf %add3A_77, %max3A_79 : vector<16xf32>
    %min3A_81 = arith.constant 8.704000e+03 : f32
    %min3A_82 = vector.broadcast %min3A_81 : f32 to vector<16xf32>
    %min3A_83 = arith.minimumf %max3A_80, %min3A_82 : vector<16xf32>
    %convert_element_type3A_84 = arith.fptosi %min3A_83 : vector<16xf32> to vector<16xi32>
    %gather3A_85 = tpu.vector_load_idx %arg7[%convert_element_type3A_84] : memref<9216xf32, #tpu.memory_space<vmem>>[vector<16xi32>], vector<16xf32>,
    %add3A_86 = arith.addf %broadcast_in_dim3A_11, %gather3A_85 : vector<16xf32>
    %get3A_87 = arith.constant 48 : index
    %get3A_88 = tpu.vector_load %arg8[%get3A_87] {strides = array<i32>} : memref<2816xi32, #tpu.memory_space<vmem>>, vector<16xi32>,
    %get3A_89 = arith.constant 176 : index
    %get3A_90 = tpu.vector_load %arg8[%get3A_89] {strides = array<i32>} : memref<2816xi32, #tpu.memory_space<vmem>>, vector<16xi32>,
    %gather3A_91 = tpu.vector_load_idx %arg6[%get3A_88] : memref<100352xf32, #tpu.memory_space<vmem>>[vector<16xi32>], vector<16xf32>,
    %gather3A_92 = tpu.vector_load_idx %arg6[%get3A_90] : memref<100352xf32, #tpu.memory_space<vmem>>[vector<16xi32>], vector<16xf32>,
    %mul3A_93 = arith.mulf %gather3A_91, %gather3A_92 : vector<16xf32>
    %mul3A_94 = arith.constant 1.280000e+02 : f32
    %mul3A_95 = vector.broadcast %mul3A_94 : f32 to vector<16xf32>
    %mul3A_96 = arith.mulf %mul3A_93, %mul3A_95 : vector<16xf32>
    %add3A_97 = arith.constant 4.352500e+03 : f32
    %add3A_98 = vector.broadcast %add3A_97 : f32 to vector<16xf32>
    %add3A_99 = arith.addf %mul3A_96, %add3A_98 : vector<16xf32>
    %max3A_100 = arith.constant 0.000000e+00 : f32
    %max3A_101 = vector.broadcast %max3A_100 : f32 to vector<16xf32>
    %max3A_102 = arith.maximumf %add3A_99, %max3A_101 : vector<16xf32>
    %min3A_103 = arith.constant 8.704000e+03 : f32
    %min3A_104 = vector.broadcast %min3A_103 : f32 to vector<16xf32>
    %min3A_105 = arith.minimumf %max3A_102, %min3A_104 : vector<16xf32>
    %convert_element_type3A_106 = arith.fptosi %min3A_105 : vector<16xf32> to vector<16xi32>
    %gather3A_107 = tpu.vector_load_idx %arg7[%convert_element_type3A_106] : memref<9216xf32, #tpu.memory_space<vmem>>[vector<16xi32>], vector<16xf32>,
    %add3A_108 = arith.addf %broadcast_in_dim3A_11, %gather3A_107 : vector<16xf32>
    %get3A_109 = arith.constant 64 : index
    %get3A_110 = tpu.vector_load %arg8[%get3A_109] {strides = array<i32>} : memref<2816xi32, #tpu.memory_space<vmem>>, vector<16xi32>,
    %get3A_111 = arith.constant 192 : index
    %get3A_112 = tpu.vector_load %arg8[%get3A_111] {strides = array<i32>} : memref<2816xi32, #tpu.memory_space<vmem>>, vector<16xi32>,
    %gather3A_113 = tpu.vector_load_idx %arg6[%get3A_110] : memref<100352xf32, #tpu.memory_space<vmem>>[vector<16xi32>], vector<16xf32>,
    %gather3A_114 = tpu.vector_load_idx %arg6[%get3A_112] : memref<100352xf32, #tpu.memory_space<vmem>>[vector<16xi32>], vector<16xf32>,
    %mul3A_115 = arith.mulf %gather3A_113, %gather3A_114 : vector<16xf32>
    %mul3A_116 = arith.constant 1.280000e+02 : f32
    %mul3A_117 = vector.broadcast %mul3A_116 : f32 to vector<16xf32>
    %mul3A_118 = arith.mulf %mul3A_115, %mul3A_117 : vector<16xf32>
    %add3A_119 = arith.constant 4.352500e+03 : f32
    %add3A_120 = vector.broadcast %add3A_119 : f32 to vector<16xf32>
    %add3A_121 = arith.addf %mul3A_118, %add3A_120 : vector<16xf32>
    %max3A_122 = arith.constant 0.000000e+00 : f32
    %max3A_123 = vector.broadcast %max3A_122 : f32 to vector<16xf32>
    %max3A_124 = arith.maximumf %add3A_121, %max3A_123 : vector<16xf32>
    %min3A_125 = arith.constant 8.704000e+03 : f32
    %min3A_126 = vector.broadcast %min3A_125 : f32 to vector<16xf32>
    %min3A_127 = arith.minimumf %max3A_124, %min3A_126 : vector<16xf32>
    %convert_element_type3A_128 = arith.fptosi %min3A_127 : vector<16xf32> to vector<16xi32>
    %gather3A_129 = tpu.vector_load_idx %arg7[%convert_element_type3A_128] : memref<9216xf32, #tpu.memory_space<vmem>>[vector<16xi32>], vector<16xf32>,
    %add3A_130 = arith.addf %broadcast_in_dim3A_11, %gather3A_129 : vector<16xf32>
    %get3A_131 = arith.constant 80 : index
    %get3A_132 = tpu.vector_load %arg8[%get3A_131] {strides = array<i32>} : memref<2816xi32, #tpu.memory_space<vmem>>, vector<16xi32>,
    %get3A_133 = arith.constant 208 : index
    %get3A_134 = tpu.vector_load %arg8[%get3A_133] {strides = array<i32>} : memref<2816xi32, #tpu.memory_space<vmem>>, vector<16xi32>,
    %gather3A_135 = tpu.vector_load_idx %arg6[%get3A_132] : memref<100352xf32, #tpu.memory_space<vmem>>[vector<16xi32>], vector<16xf32>,
    %gather3A_136 = tpu.vector_load_idx %arg6[%get3A_134] : memref<100352xf32, #tpu.memory_space<vmem>>[vector<16xi32>], vector<16xf32>,
    %mul3A_137 = arith.mulf %gather3A_135, %gather3A_136 : vector<16xf32>
    %mul3A_138 = arith.constant 1.280000e+02 : f32
    %mul3A_139 = vector.broadcast %mul3A_138 : f32 to vector<16xf32>
    %mul3A_140 = arith.mulf %mul3A_137, %mul3A_139 : vector<16xf32>
    %add3A_141 = arith.constant 4.352500e+03 : f32
    %add3A_142 = vector.broadcast %add3A_141 : f32 to vector<16xf32>
    %add3A_143 = arith.addf %mul3A_140, %add3A_142 : vector<16xf32>
    %max3A_144 = arith.constant 0.000000e+00 : f32
    %max3A_145 = vector.broadcast %max3A_144 : f32 to vector<16xf32>
    %max3A_146 = arith.maximumf %add3A_143, %max3A_145 : vector<16xf32>
    %min3A_147 = arith.constant 8.704000e+03 : f32
    %min3A_148 = vector.broadcast %min3A_147 : f32 to vector<16xf32>
    %min3A_149 = arith.minimumf %max3A_146, %min3A_148 : vector<16xf32>
    %convert_element_type3A_150 = arith.fptosi %min3A_149 : vector<16xf32> to vector<16xi32>
    %gather3A_151 = tpu.vector_load_idx %arg7[%convert_element_type3A_150] : memref<9216xf32, #tpu.memory_space<vmem>>[vector<16xi32>], vector<16xf32>,
    %add3A_152 = arith.addf %broadcast_in_dim3A_11, %gather3A_151 : vector<16xf32>
    %get3A_153 = arith.constant 96 : index
    %get3A_154 = tpu.vector_load %arg8[%get3A_153] {strides = array<i32>} : memref<2816xi32, #tpu.memory_space<vmem>>, vector<16xi32>,
    %get3A_155 = arith.constant 224 : index
    %get3A_156 = tpu.vector_load %arg8[%get3A_155] {strides = array<i32>} : memref<2816xi32, #tpu.memory_space<vmem>>, vector<16xi32>,
    %gather3A_157 = tpu.vector_load_idx %arg6[%get3A_154] : memref<100352xf32, #tpu.memory_space<vmem>>[vector<16xi32>], vector<16xf32>,
    %gather3A_158 = tpu.vector_load_idx %arg6[%get3A_156] : memref<100352xf32, #tpu.memory_space<vmem>>[vector<16xi32>], vector<16xf32>,
    %mul3A_159 = arith.mulf %gather3A_157, %gather3A_158 : vector<16xf32>
    %mul3A_160 = arith.constant 1.280000e+02 : f32
    %mul3A_161 = vector.broadcast %mul3A_160 : f32 to vector<16xf32>
    %mul3A_162 = arith.mulf %mul3A_159, %mul3A_161 : vector<16xf32>
    %add3A_163 = arith.constant 4.352500e+03 : f32
    %add3A_164 = vector.broadcast %add3A_163 : f32 to vector<16xf32>
    %add3A_165 = arith.addf %mul3A_162, %add3A_164 : vector<16xf32>
    %max3A_166 = arith.constant 0.000000e+00 : f32
    %max3A_167 = vector.broadcast %max3A_166 : f32 to vector<16xf32>
    %max3A_168 = arith.maximumf %add3A_165, %max3A_167 : vector<16xf32>
    %min3A_169 = arith.constant 8.704000e+03 : f32
    %min3A_170 = vector.broadcast %min3A_169 : f32 to vector<16xf32>
    %min3A_171 = arith.minimumf %max3A_168, %min3A_170 : vector<16xf32>
    %convert_element_type3A_172 = arith.fptosi %min3A_171 : vector<16xf32> to vector<16xi32>
    %gather3A_173 = tpu.vector_load_idx %arg7[%convert_element_type3A_172] : memref<9216xf32, #tpu.memory_space<vmem>>[vector<16xi32>], vector<16xf32>,
    %add3A_174 = arith.addf %broadcast_in_dim3A_11, %gather3A_173 : vector<16xf32>
    %get3A_175 = arith.constant 112 : index
    %get3A_176 = tpu.vector_load %arg8[%get3A_175] {strides = array<i32>} : memref<2816xi32, #tpu.memory_space<vmem>>, vector<16xi32>,
    %get3A_177 = arith.constant 240 : index
    %get3A_178 = tpu.vector_load %arg8[%get3A_177] {strides = array<i32>} : memref<2816xi32, #tpu.memory_space<vmem>>, vector<16xi32>,
    %gather3A_179 = tpu.vector_load_idx %arg6[%get3A_176] : memref<100352xf32, #tpu.memory_space<vmem>>[vector<16xi32>], vector<16xf32>,
    %gather3A_180 = tpu.vector_load_idx %arg6[%get3A_178] : memref<100352xf32, #tpu.memory_space<vmem>>[vector<16xi32>], vector<16xf32>,
    %mul3A_181 = arith.mulf %gather3A_179, %gather3A_180 : vector<16xf32>
    %mul3A_182 = arith.constant 1.280000e+02 : f32
    %mul3A_183 = vector.broadcast %mul3A_182 : f32 to vector<16xf32>
    %mul3A_184 = arith.mulf %mul3A_181, %mul3A_183 : vector<16xf32>
    %add3A_185 = arith.constant 4.352500e+03 : f32
    %add3A_186 = vector.broadcast %add3A_185 : f32 to vector<16xf32>
    %add3A_187 = arith.addf %mul3A_184, %add3A_186 : vector<16xf32>
    %max3A_188 = arith.constant 0.000000e+00 : f32
    %max3A_189 = vector.broadcast %max3A_188 : f32 to vector<16xf32>
    %max3A_190 = arith.maximumf %add3A_187, %max3A_189 : vector<16xf32>
    %min3A_191 = arith.constant 8.704000e+03 : f32
    %min3A_192 = vector.broadcast %min3A_191 : f32 to vector<16xf32>
    %min3A_193 = arith.minimumf %max3A_190, %min3A_192 : vector<16xf32>
    %convert_element_type3A_194 = arith.fptosi %min3A_193 : vector<16xf32> to vector<16xi32>
    %gather3A_195 = tpu.vector_load_idx %arg7[%convert_element_type3A_194] : memref<9216xf32, #tpu.memory_space<vmem>>[vector<16xi32>], vector<16xf32>,
    %add3A_196 = arith.addf %broadcast_in_dim3A_11, %gather3A_195 : vector<16xf32>
    %add3A_197 = arith.addf %add3A_42, %add3A_64 : vector<16xf32>
    %add3A_198 = arith.addf %add3A_86, %add3A_108 : vector<16xf32>
    %add3A_199 = arith.addf %add3A_197, %add3A_198 : vector<16xf32>
    %add3A_200 = arith.addf %add3A_130, %add3A_152 : vector<16xf32>
    %add3A_201 = arith.addf %add3A_174, %add3A_196 : vector<16xf32>
    %add3A_202 = arith.addf %add3A_200, %add3A_201 : vector<16xf32>
    %add3A_203 = arith.addf %add3A_199, %add3A_202 : vector<16xf32>
    %jit3A_204 = arith.constant 1.000000e+00 : f32
    %jit3A_205 = arith.constant 0.000000e+00 : f32
    %select_n3A_206 = arith.select %lt3A_17, %jit3A_204, %jit3A_205 : f32
    %mul3A_207 = vector.broadcast %select_n3A_206 : f32 to vector<16xf32>
    %mul3A_208 = arith.mulf %mul3A_207, %add3A_203 : vector<16xf32>
    %add3A_209 = arith.addf %scan3A_15#0, %mul3A_208 : vector<16xf32>
    %add3A_210 = arith.addf %add3A_209, %scan3A_15#1 : vector<16xf32>
    %add3A_211 = arith.addf %scan3A_15#2, %scan3A_15#3 : vector<16xf32>
    %add3A_212 = arith.addf %add3A_210, %add3A_211 : vector<16xf32>
    %swap3A = arith.constant 0 : index
    %swap3A_213 = tpu.vector_load %arg10[%swap3A] {strides = array<i32>} : memref<16xf32, #tpu.memory_space<vmem>>, vector<16xf32>,
    tpu.vector_store %arg10[%swap3A], %add3A_212 {strides = array<i32>} : memref<16xf32, #tpu.memory_space<vmem>>, vector<16xf32>,
    "tpu.region"() ({
      %run_scoped3A = tpu.sem_alloc : memref<!tpu.dma_semaphore, #tpu.memory_space<semaphore_mem>>
      %dma_start3A_214 = arith.constant 0 : i32
      %dma_start3A_215 = tpu.memref_slice %arg5[%add3A, %dma_start3A_214] : memref<32x16xf32, #tpu.memory_space<hbm>> -> memref<1x16xf32, #tpu.memory_space<hbm>>
      %dma_start3A_216 = tpu.memref_squeeze %dma_start3A_215 : memref<1x16xf32, #tpu.memory_space<hbm>> -> memref<16xf32, #tpu.memory_space<hbm>>
      %dma_start3A_217 = arith.constant 0 : i32
      %dma_start3A_218 = tpu.memref_slice %arg5[%add3A, %dma_start3A_217] : memref<32x16xf32, #tpu.memory_space<hbm>> -> memref<1x16xf32, #tpu.memory_space<hbm>>
      %dma_start3A_219 = tpu.memref_squeeze %dma_start3A_218 : memref<1x16xf32, #tpu.memory_space<hbm>> -> memref<16xf32, #tpu.memory_space<hbm>>
      tpu.enqueue_dma source(%arg10 : memref<16xf32, #tpu.memory_space<vmem>>) target(%dma_start3A_219 : memref<16xf32, #tpu.memory_space<hbm>>) target_semaphore(%run_scoped3A : memref<!tpu.dma_semaphore, #tpu.memory_space<semaphore_mem>>)
      %dma_wait3A = arith.constant 0 : i32
      %dma_wait3A_220 = tpu.memref_slice %arg5[%add3A, %dma_wait3A] : memref<32x16xf32, #tpu.memory_space<hbm>> -> memref<1x16xf32, #tpu.memory_space<hbm>>
      %dma_wait3A_221 = tpu.memref_squeeze %dma_wait3A_220 : memref<1x16xf32, #tpu.memory_space<hbm>> -> memref<16xf32, #tpu.memory_space<hbm>>
      %dma_wait3A_222 = arith.constant 0 : i32
      %dma_wait3A_223 = tpu.memref_slice %arg5[%add3A, %dma_wait3A_222] : memref<32x16xf32, #tpu.memory_space<hbm>> -> memref<1x16xf32, #tpu.memory_space<hbm>>
      %dma_wait3A_224 = tpu.memref_squeeze %dma_wait3A_223 : memref<1x16xf32, #tpu.memory_space<hbm>> -> memref<16xf32, #tpu.memory_space<hbm>>
      tpu.wait_dma2 semaphore(%run_scoped3A : memref<!tpu.dma_semaphore, #tpu.memory_space<semaphore_mem>>) src(%arg10 : memref<16xf32, #tpu.memory_space<vmem>>) dst(%dma_wait3A_224 : memref<16xf32, #tpu.memory_space<hbm>>)
      tpu.yield
    }) : () -> ()
    return
  }
}

module attributes {stable_mosaic.version = 14 : i64} {
  func.func @_c_tc_body(%arg0: memref<784x128xf32, #tpu.memory_space<vmem>>, %arg1: memref<784x128xf32, #tpu.memory_space<vmem>>, %arg2: memref<784x128xf32, #tpu.memory_space<vmem>>, %arg3: memref<784x128xf32, #tpu.memory_space<vmem>>, %arg4: memref<72x128xf32, #tpu.memory_space<vmem>>) attributes {dimension_semantics = [], scalar_prefetch = 0 : i64, scratch_operands = 0 : i64, tpu.core_type = #tpu.core_type<tc>} {
    %get3A = arith.constant 0 : index
    %get3A_0 = arith.constant 0 : index
    %get3A_1 = vector.load %arg0[%get3A, %get3A_0] : memref<784x128xf32, #tpu.memory_space<vmem>>, vector<784x128xf32>
    %get3A_2 = arith.constant 0 : index
    %get3A_3 = arith.constant 0 : index
    %get3A_4 = vector.load %arg1[%get3A_2, %get3A_3] : memref<784x128xf32, #tpu.memory_space<vmem>>, vector<784x128xf32>
    %exp3A = math.exp %get3A_4 : vector<784x128xf32>
    %get3A_5 = arith.constant 0 : index
    %get3A_6 = arith.constant 0 : index
    %get3A_7 = vector.load %arg2[%get3A_5, %get3A_6] : memref<784x128xf32, #tpu.memory_space<vmem>>, vector<784x128xf32>
    %mul3A = arith.mulf %exp3A, %get3A_7 : vector<784x128xf32>
    %add3A = arith.addf %get3A_1, %mul3A : vector<784x128xf32>
    %swap3A = arith.constant 0 : index
    %swap3A_8 = arith.constant 0 : index
    %swap3A_9 = vector.load %arg3[%swap3A, %swap3A_8] : memref<784x128xf32, #tpu.memory_space<vmem>>, vector<784x128xf32>
    tpu.vector_store %arg3[%swap3A, %swap3A_8], %add3A {strides = array<i32>} : memref<784x128xf32, #tpu.memory_space<vmem>>, vector<784x128xf32>,
    %iota3A = tpu.iota {dimensions = array<i32: 0>} : vector<72x128xi32>
    %iota3A_10 = tpu.iota {dimensions = array<i32: 1>} : vector<72x128xi32>
    %mul3A_11 = arith.constant 128 : i32
    %mul3A_12 = vector.broadcast %mul3A_11 : i32 to vector<72x128xi32>
    %mul3A_13 = arith.muli %iota3A, %mul3A_12 : vector<72x128xi32>
    %add3A_14 = arith.addi %mul3A_13, %iota3A_10 : vector<72x128xi32>
    %min3A = arith.constant 8704 : i32
    %min3A_15 = vector.broadcast %min3A : i32 to vector<72x128xi32>
    %min3A_16 = arith.minsi %add3A_14, %min3A_15 : vector<72x128xi32>
    %convert_element_type3A = arith.sitofp %min3A_16 : vector<72x128xi32> to vector<72x128xf32>
    %sub3A = arith.constant 4.352000e+03 : f32
    %sub3A_17 = vector.broadcast %sub3A : f32 to vector<72x128xf32>
    %sub3A_18 = arith.subf %convert_element_type3A, %sub3A_17 : vector<72x128xf32>
    %mul3A_19 = arith.constant 7.812500e-03 : f32
    %mul3A_20 = vector.broadcast %mul3A_19 : f32 to vector<72x128xf32>
    %mul3A_21 = arith.mulf %sub3A_18, %mul3A_20 : vector<72x128xf32>
    %logistic3A = arith.negf %mul3A_21 : vector<72x128xf32>
    %logistic3A_22 = math.exp %logistic3A : vector<72x128xf32>
    %logistic3A_23 = arith.constant 1.000000e+00 : f32
    %logistic3A_24 = vector.broadcast %logistic3A_23 : f32 to vector<72x128xf32>
    %logistic3A_25 = arith.addf %logistic3A_24, %logistic3A_22 : vector<72x128xf32>
    %logistic3A_26 = arith.divf %logistic3A_24, %logistic3A_25 : vector<72x128xf32>
    %add3A_27 = arith.constant 9.99999993E-9 : f32
    %add3A_28 = vector.broadcast %add3A_27 : f32 to vector<72x128xf32>
    %add3A_29 = arith.addf %logistic3A_26, %add3A_28 : vector<72x128xf32>
    %log3A = math.log %add3A_29 : vector<72x128xf32>
    %swap3A_30 = arith.constant 0 : index
    %swap3A_31 = arith.constant 0 : index
    %swap3A_32 = vector.load %arg4[%swap3A_30, %swap3A_31] : memref<72x128xf32, #tpu.memory_space<vmem>>, vector<72x128xf32>
    tpu.vector_store %arg4[%swap3A_30, %swap3A_31], %log3A {strides = array<i32>} : memref<72x128xf32, #tpu.memory_space<vmem>>, vector<72x128xf32>,
    return
  }
}

</mosaic_0001>

<sc_bundles>
// kernel: kernel.4.cloned.1.call-start
scs
__scs_entry_jumppad:
0x0: {  	(pc) =	sbr.rel $0x88, $3  }
0x1: {  	(tag) =	ssettag $0x0;
	lr =	simm.s32 $0x1  }
0x2: {  	[smem:$0x3F9D] =	sst lr;
	_ =	strace $0xD0000000  }
0x3: {  	_ = 	snop  }
0x4: {  	_ = 	snop  }
0x5: {  	_ = 	snop  }
0x6: {  	_ = 	snop  }
0x7: {  	_ = 	snop  }
__scs_overlays_trampoline_lowered:
0x8: {  	[smem:$0x3FAC] =	sst s0  }
0x9: {  	[smem:$0x3FAD] =	sst s1  }
0xa: {  	[smem:$0x3FAE] =	sst s2  }
0xb: {  	[smem:$0x3FAF] =	sst s3  }
0xc: {  	[smem:$0x3FB0] =	sst s4  }
0xd: {  	[smem:$0x3FB1] =	sst s5  }
0xe: {  	[smem:$0x3FB2] =	sst s6  }
0xf: {  	[smem:$0x3FB3] =	sst s7  }
0x10: {  	[smem:$0x3FB4] =	sst s8  }
0x11: {  	[smem:$0x3FB5] =	sst s9;
	s0 =	simm.s32 @!p0 $0x0  }
0x12: {  	s1 =	sld [smem:$0x3F9B];
	s0 =	simm.s32 @p0 $0x1  }
0x13: {  	[smem:$0x3FB6] =	sst s0;
	s0 =	simm.s32 @!p1 $0x0  }
0x14: {  	s2 =	sld [smem:$0x3F9A];
	s0 =	simm.s32 @p1 $0x1  }
0x15: {  	[smem:$0x3FB7] =	sst s0;
	s0 =	simm.s32 @!p2 $0x0  }
0x16: {  	s3 =	sld [smem:$0x3FDB];
	s0 =	simm.s32 @p2 $0x1  }
0x17: {  	s4 =	simm.s32 $0x1BF5;
	[smem:$0x3FB9] =	sst s0  }
0x18: {  	s0 =	sld [smem:$0x3F9C];
	_ =	swait.ge [sflag:s4], $0x0  }
0x19: {  	s7 =	sld [smem:$0x3F9D]  }
0x1a: {  	s8 =	sadd.s32 $0xFFFFE003, lr  }
0x1b: {  	s9 =	sadd.s32 $0xFFFFFEF7, lr;
	s5 =	simm.s32 $0xFFFFFFFF;
	p2 =	slt.u32 s8, $0xFFFFF086  }
0x1c: {  	p1 =	slt.u32 s9, $0xF7A;
	s5 =	simm.s32 @!p2 $0x0  }
0x1d: {  	s5 =	simm.s32 @p1 $0x1;
	p0 =	seq.s32 s7, s2  }
0x1e: {  	s7 =	smul.u32 @!p0 $0xF7A, s2;
	p2 =	seq.s32 @!p0 s5, $0x0  }
0x1f: {  	s9 =	smul.u32 $0xF7A, s1;
	s8 =	simm.s32 @!p0 $0x1BF5;
	p2 =	por !p2, p0  }
0x20: {  	[sflag:s8] =	ssyncset.s32 @!p0 $0xFFFFF086;
	s6 =	sadd.s32 @!p0 s3, s7;
	s7 =	simm.s32 @!p0 $0x108  }
0x21: {  	s3 =	sadd.s32 s3, s9;
	s6 =	sadd.s32 @!p0 $0x88, s6;
	s7 =	simm.s32 @p2 $0x1082  }
0x22: {  	[simem:s7], [sflag:s8] =	dma.local @!p0 [hbm:s6], $0xF7A  }
0x23: {  	s9 =	sor.u32 $0xD0000000, s2;
	s6 =	simm.s32 $0x108;
	_ =	swait.ge @!p0 [sflag:s8], $0x0  }
0x24: {  	s3 =	sadd.s32 $0x88, s3;
	s6 =	simm.s32 @!p1 $0x1082;
	[sflag:s4] =	ssyncset.s32 $0xFFFFF086  }
0x25: {  	[simem:s6], [sflag:s4] =	dma.local [hbm:s3], $0xF7A  }
0x26: {  	[smem:$0x3F9D] =	sst s1;
	(tag) =	ssettag s2;
	_ =	strace s9  }
0x27: {  	s1 =	sld [smem:$0x3FAD]  }
0x28: {  	s2 =	sld [smem:$0x3FAE]  }
0x29: {  	s4 =	sld [smem:$0x3FB0]  }
0x2a: {  	p0 =	seq.s32 s5, $0x0;
	s5 =	sld [smem:$0x3FB1]  }
0x2b: {  	s6 =	sld [smem:$0x3FB2]  }
0x2c: {  	s7 =	sld [smem:$0x3FB3]  }
0x2d: {  	s3 =	simm.s32 $0x108;
	s8 =	sld [smem:$0x3FB4]  }
0x2e: {  	s3 =	simm.s32 @!p0 $0x1082;
	s9 =	sld [smem:$0x3FB5]  }
0x2f: {  	lr =	sadd.s32 s0, s3;
	s0 =	sld [smem:$0x3FAC]  }
0x30: {  	s3 =	sld [smem:$0x3FAF]  }
0x31: {  	[smem:$0x3FB8] =	sst s10  }
0x32: {  	s10 =	sld [smem:$0x3FB6];
	_ =	sdelay $0x3  }
0x33: {  	p0 =	seq.s32 s10, $0x1;
	s10 =	sld [smem:$0x3FB8];
	_ =	sdelay $0x3  }
0x34: {  	[smem:$0x3FB8] =	sst s10  }
0x35: {  	s10 =	sld [smem:$0x3FB7];
	_ =	sdelay $0x3  }
0x36: {  	p1 =	seq.s32 s10, $0x1;
	s10 =	sld [smem:$0x3FB8];
	_ =	sdelay $0x3  }
0x37: {  	[smem:$0x3FB8] =	sst s10  }
0x38: {  	s10 =	sld [smem:$0x3FB9]  }
0x39: {  	_ = 	snop;
	(pc) =	sbr.ind lr, $3  }
0x3a: {  	_ = 	snop  }
0x3b: {  	_ = 	snop  }
0x3c: {  	p2 =	seq.s32 s10, $0x1;
	s10 =	sld [smem:$0x3FB8]  }
0x3d: {  	_ =	shalt  }
0x3e: {  	_ =	shalt  }
0x3f: {  	_ =	shalt  }
0x40: {  	_ =	shalt  }
0x41: {  	_ =	shalt  }
0x42: {  	_ =	shalt  }
0x43: {  	_ =	shalt  }
0x44: {  	_ =	shalt  }
0x45: {  	_ =	shalt  }
0x46: {  	_ =	shalt  }
0x47: {  	_ =	shalt  }
0x48: {  	_ =	shalt  }
0x49: {  	_ =	shalt  }
0x4a: {  	_ =	shalt  }
0x4b: {  	_ =	shalt  }
0x4c: {  	_ =	shalt  }
0x4d: {  	_ =	shalt  }
0x4e: {  	_ =	shalt  }
0x4f: {  	_ =	shalt  }
0x50: {  	_ =	shalt  }
0x51: {  	_ =	shalt  }
0x52: {  	_ =	shalt  }
0x53: {  	_ =	shalt  }
0x54: {  	_ =	shalt  }
0x55: {  	_ =	shalt  }
0x56: {  	_ =	shalt  }
0x57: {  	_ =	shalt  }
0x58: {  	_ =	shalt  }
0x59: {  	_ =	shalt  }
0x5a: {  	_ =	shalt  }
0x5b: {  	_ =	shalt  }
0x5c: {  	_ =	shalt  }
0x5d: {  	_ =	shalt  }
0x5e: {  	_ =	shalt  }
0x5f: {  	_ =	shalt  }
0x60: {  	_ =	shalt  }
0x61: {  	_ =	shalt  }
0x62: {  	_ =	shalt  }
0x63: {  	_ =	shalt  }
0x64: {  	_ =	shalt  }
0x65: {  	_ =	shalt  }
0x66: {  	_ =	shalt  }
0x67: {  	_ =	shalt  }
0x68: {  	_ =	shalt  }
0x69: {  	_ =	shalt  }
0x6a: {  	_ =	shalt  }
0x6b: {  	_ =	shalt  }
0x6c: {  	_ =	shalt  }
0x6d: {  	_ =	shalt  }
0x6e: {  	_ =	shalt  }
0x6f: {  	_ =	shalt  }
0x70: {  	_ =	shalt  }
0x71: {  	_ =	shalt  }
0x72: {  	_ =	shalt  }
0x73: {  	_ =	shalt  }
0x74: {  	_ =	shalt  }
0x75: {  	_ =	shalt  }
0x76: {  	_ =	shalt  }
0x77: {  	_ =	shalt  }
0x78: {  	_ =	shalt  }
0x79: {  	_ =	shalt  }
0x7a: {  	_ =	shalt  }
0x7b: {  	_ =	shalt  }
0x7c: {  	_ =	shalt  }
0x7d: {  	_ =	shalt  }
0x7e: {  	_ =	shalt  }
0x7f: {  	_ =	shalt  }
0x80: {  	_ =	shalt  }
0x81: {  	_ =	shalt  }
0x82: {  	_ =	shalt  }
0x83: {  	_ =	shalt  }
0x84: {  	_ =	shalt  }
0x85: {  	_ =	shalt  }
0x86: {  	_ =	shalt  }
0x87: {  	_ =	shalt  }
.Lfunc_end0:
.L_simem_size_0:
called_computation_lowered:
.L_overlay_start_0:
0x88: {  	s2 =	sld [smem:$0x3FD9]  }
0x89: {  	s3 =	sld [smem:$0x3FFE];
	_ =	sdelay $0x1  }
0x8a: {  	s1 =	srdreg.scid  }
0x8b: {  	s0 =	sand.u32 $0x1, s1  }
0x8c: {  	s17 =	sshll.u32 s0, $0xA;
	s2 =	sadd.s32 s3, s2  }
0x8d: {  	s2 =	sadd.s32 s2, s17  }
0x8e: {  	[smem:$0x3FC4] =	sst s2  }
0x8f: {  	_ = 	snop  }
0x90: {  	s2 =	sld [smem:$0x3FC9];
	(tm) =	ssettm $0x1  }
0x91: {  	s18 =	sld [smem:$0x3FFB];
	_ =	sdelay $0x3  }
0x92: {  	_ =	strace s18  }
0x93: {  	s3 =	sld [smem:$0x3FFC];
	_ =	sdelay $0x3  }
0x94: {  	_ =	strace s3  }
0x95: {  	s3 =	sld [smem:$0x3FFD];
	_ =	sdelay $0x3  }
0x96: {  	_ =	strace s3  }
0x97: {  	_ =	strace $0x8FFFFFFF  }
0x98: {  	s19 =	sld [smem:$0x3FDB];
	_ =	sdelay $0x1  }
0x99: {  	s4 =	simm.s32 $_scs_section_size  }
0x9a: {  	s5 =	simm.s32 $_size__tile_overlayer_lowered;
	s6 =	simm.s32 $_tile_overlayer_lowered  }
0x9b: {  	s22 =	simm.s32 $0x1BFF;
	s21 =	sshll.u32 s6, $0x1;
	s3 =	sadd.s32 s4, s19  }
0x9c: {  	s7 =	simm.s32 $0x0;
	s20 =	sshll.u32 s5, $0x1;
	s5 =	sadd.s32 s21, s3  }
0x9d: {  	[timem:s7], [sflag:s22] =	dma.local [hbm:s5], s20  }
0x9e: {  	_ =	swait.ge [sflag:s22], s20  }
0x9f: {  	s4 =	ssub.s32 $0x0, s20;
	[sflag:s22] =	ssyncset.done $0x0  }
0xa0: {  	[sflag:s22] =	ssyncadd.s32 s4;
	_ =	sdelay $0x1  }
0xa1: {  	s23 =	simm.s32 $0x1B8B  }
0xa2: {  	_ =	swait.ge [sflag:s23], $0x1  }
0xa3: {  	[sflag:s23] =	ssyncset.done $0x0  }
0xa4: {  	s25 =	simm.s32 $0x1B8E;
	s24 =	sld [smem:$0x3FFE];
	[sflag:s23] =	ssyncadd.s32 $0xFFFFFFFF  }
0xa5: {  	s26 =	simm.s32 $execute0_lowered;
	[smem:$0x3FD2] =	sst s25  }
0xa6: {  	s5 =	sshll.u32 s26, $0x1;
	_ =	strace $0x80000046;
	[dreg:$0x1] =	wrdreg $0xFFFFFFFF  }
0xa7: {  	s28 =	simm.s32 $_size_execute0_lowered;
	s3 =	sadd.s32 s3, s5;
	[dreg:$0x0] =	wrdreg $0x0  }
0xa8: {  	s5 =	sshll.u32 s28, $0x1;
	[dreg:$0x2] =	wrdreg s3  }
0xa9: {  	[dreg:$0x3] =	wrdreg s5  }
0xaa: {  	[dreg:$0x4] =	wrdreg $0xC0  }
0xab: {  	_ =	task [dreg:s7], $0x5FFFF  }
0xac: {  	[dreg:$0x1] =	wrdreg $0xFFFFFFFF  }
0xad: {  	[dreg:$0x0] =	wrdreg $0x60  }
0xae: {  	[dreg:$0x2] =	wrdreg s2  }
0xaf: {  	[dreg:$0x3] =	wrdreg s24  }
0xb0: {  	[dreg:$0x4] =	wrdreg $0x9  }
0xb1: {  	_ =	task.clear_ibuf [dreg:s7], $0x5FFFF;
	_ =	strace $0x90000046  }
0xb2: {  	s29 =	simm.s32 $0x9;
	_ =	strace $0x80000048  }
0xb3: {  	_ =	swait.ge [sflag:s29], $0x1  }
0xb4: {  	[sflag:s29] =	ssyncadd.s32 $0xFFFFFFFF  }
0xb5: {  	_ =	strace $0x90000048  }
0xb6: {  	_ =	sfence  }
0xb7: {  	s30 =	sld [smem:$0x0];
	_ =	sdelay $0x2  }
0xb8: {  	s31 =	sshll.u32 s1, $0xD;
	s1 =	sshrl.u32 s1, $0x2  }
0xb9: {  	s3 =	sand.u32 $0x4000, s31;
	s1 =	sadd.s32 s1, s30  }
0xba: {  	s0 =	sor.u32 s3, s0;
	s1 =	sshll.u32 s1, $0x11  }
0xbb: {  	s0 =	sor.u32 s1, s0  }
0xbc: {  	s0 =	sadd.s32 $0x8F2B, s0  }
0xbd: {  	[sflag:s0] =	ssyncadd.remote.s32 $0x1  }
0xbe: {  	_ =	sfence.sel $0xFFFF  }
0xbf: {  	[dreg:$0x0] =	wrdreg $0xFFFFFFFF;
	(pc) =	sbr.abs _section_cstart, $3  }
0xc0: {  	[dreg:$0x1] =	wrdreg $0xFFFFFFFF  }
0xc1: {  	_ =	task.clear_ibuf [dreg:s7], $0x2FFFF;
	_ =	strace $0x9FFFFFFF  }
0xc2: {  	(tm) =	ssettm $0x7FFFFFFF  }
0xc3: {  	_ =	shalt  }
tec
execute0_lowered:
.L_overlay_start_1:
0x0: {  	(tag) =	ssettag $0x1  }
0x1: {  	s2 =	rddreg [dreg:$0x0]  }
0x2: {  	s1 =	srdreg.scid;
	s0 =	stileid.u32  }
0x3: {  	s6 =	rddreg [dreg:$0x1];
	s3 =	simm.s32 $0x0;
	s18 =	simm.f32 $1.000000000e+00  }
0x4: {  	s14 =	simm.s32 $0x1B700;
	s15 =	simm.s32 $0x3;
	s16 =	simm.s32 $0x18800  }
0x5: {  	s17 =	simm.s32 $0x1;
	s19 =	simm.s32 $0x1C200;
	s20 =	simm.s32 $0x0  }
0x6: {  	s7 =	sand.u32 $0x1, s1;
	s4 =	sshll.u32 s0, $0x1;
	s1 =	rddreg [dreg:$0x2]  }
0x7: {  	[smem:$0x7FF] =	sst s3;
	s5 =	sadd.s32 $0x3400, s6;
	p0 =	slt.u32 s0, $0x8  }
0x8: {  	s8 =	sor.u32 s7, s4;
	_ =	strace $0x80000047;
	s4 =	sadd.s32 $0x200, s6  }
0x9: {  	s7 =	ssub.s32 $0x2, s7;
	s18 =	simm.s32 @!p0 $0x0;
	s9 =	smul.u32 $0x61A00, s8  }
0xa: {  	s10 =	sshll.u32 s8, $0x4;
	s30 =	sshrl.u32 s7, $0x1;
	s31 =	sshll.u32 s8, $0x5  }
.Ltmp0:
0xb: {  	v0 =	vmov s18;
	s18 =	simm.s32 $0x2;
	s12 =	sadd.s32 s10, s6;
	(pc) =	sbr.rel .LBB2_1-.Ltmp0, $4  }
0xc: {  	s13 =	ssub.s32 s7, s30;
	s10 =	sor.u32 $0x186800, s31;
	s11 =	sshrl.u32 s9, $0x3  }
0xd: {  	s8 =	sadd.s32 $0x1600, s9;
	s9 =	sadd.s32 $0x2100, s9;
	s10 =	simm.s32 @!p0 $0x186600  }
0xe: {  	s6 =	sadd.s32 s2, s11;
	s10 =	sadd.s32 s2, s10;
	s11 =	sadd.s32 $0x3A00, s12  }
0xf: {  	s12 =	smax.u32 s13, $0x1;
	s13 =	simm.s32 $0x1AC00;
	s7 =	sadd.s32 $0x160, s6  }
.LBB2_8:
0x10: {  	[tilespmem:s13], [sflag:$0x3] =	stream.linear.gather [hbm4b:s10+s3], $0x100, $0x38;
	[tilespmem:$0x1C280] =	vst v63  }
0x11: {  	_ =	swait.ge [sflag:s15], $0x100  }
0x12: {  	[sflag:s15] =	ssyncset.done $0x0  }
0x13: {  	[sflag:s15] =	ssyncadd.s32 $0xFFFFFF00  }
0x14: {  	v5 =	vld [tilespmem:$0x1AC00]  }
0x15: {  	v6 =	vld [tilespmem:$0x1AC80]  }
0x16: {  	v7 =	vld [tilespmem:$0x1AC10]  }
0x17: {  	v8 =	vld [tilespmem:$0x1AC90]  }
0x18: {  	v9 =	vld [tilespmem:$0x1AC20]  }
0x19: {  	v10 =	vld [tilespmem:$0x1ACA0]  }
0x1a: {  	v11 =	vld [tilespmem:$0x1AC30]  }
0x1b: {  	v12 =	vld [tilespmem:$0x1ACB0]  }
0x1c: {  	v13 =	vld [tilespmem:$0x1AC40]  }
0x1d: {  	v14 =	vld [tilespmem:$0x1ACC0]  }
0x1e: {  	v15 =	vld [tilespmem:$0x1AC50]  }
0x1f: {  	v16 =	vld [tilespmem:$0x1ACD0]  }
0x20: {  	v17 =	vld [tilespmem:$0x1AC60]  }
0x21: {  	v18 =	vld [tilespmem:$0x1ACE0]  }
0x22: {  	v19 =	vld [tilespmem:$0x1AC70]  }
0x23: {  	v53 =	vld [tilespmem:$0x1ACF0]  }
0x24: {  	v5 =	vld.idx.msk [tilespmem:v5+s3+$0x0], $0xffff  }
0x25: {  	v6 =	vld.idx.msk [tilespmem:v6+s3+$0x0], $0xffff  }
0x26: {  	v7 =	vld.idx.msk [tilespmem:v7+s3+$0x0], $0xffff  }
0x27: {  	v8 =	vld.idx.msk [tilespmem:v8+s3+$0x0], $0xffff  }
0x28: {  	v9 =	vld.idx.msk [tilespmem:v9+s3+$0x0], $0xffff  }
0x29: {  	v10 =	vld.idx.msk [tilespmem:v10+s3+$0x0], $0xffff  }
0x2a: {  	v11 =	vld.idx.msk [tilespmem:v11+s3+$0x0], $0xffff  }
0x2b: {  	v12 =	vld.idx.msk [tilespmem:v12+s3+$0x0], $0xffff  }
0x2c: {  	v13 =	vld.idx.msk [tilespmem:v13+s3+$0x0], $0xffff  }
0x2d: {  	v14 =	vld.idx.msk [tilespmem:v14+s3+$0x0], $0xffff  }
0x2e: {  	v15 =	vld.idx.msk [tilespmem:v15+s3+$0x0], $0xffff  }
0x2f: {  	v16 =	vld.idx.msk [tilespmem:v16+s3+$0x0], $0xffff  }
0x30: {  	v54 =	vld.idx.msk [tilespmem:v17+s3+$0x0], $0xffff  }
0x31: {  	v55 =	vld.idx.msk [tilespmem:v18+s3+$0x0], $0xffff;
	_ =	sdelay $0x1  }
0x32: {  	v5 =	vmul.f32 v6, v5;
	v7 =	vmul.f32 v8, v7  }
0x33: {  	v9 =	vmul.f32 v10, v9;
	v11 =	vmul.f32 v12, v11  }
0x34: {  	v56 =	vmul.f32 v14, v13;
	v57 =	vmul.f32 v16, v15  }
0x35: {  	v58 =	vld.idx.msk [tilespmem:v19+s3+$0x0], $0xffff;
	v8 =	vmul.f32 v55, v54;
	v5 =	vmul.f32 $1.280000000e+02, v5  }
0x36: {  	v6 =	vld.idx.msk [tilespmem:v53+s3+$0x0], $0xffff;
	v7 =	vmul.f32 $1.280000000e+02, v7;
	v9 =	vmul.f32 $1.280000000e+02, v9  }
0x37: {  	v11 =	vmul.f32 $1.280000000e+02, v11;
	v60 =	vmul.f32 $1.280000000e+02, v56  }
0x38: {  	v61 =	vmul.f32 $1.280000000e+02, v57;
	v5 =	vadd.f32 $4.352500000e+03, v5;
	v7 =	vadd.f32 $4.352500000e+03, v7  }
0x39: {  	v8 =	vmul.f32 $1.280000000e+02, v8;
	v9 =	vadd.f32 $4.352500000e+03, v9;
	v59 =	vadd.f32 $4.352500000e+03, v11  }
0x3a: {  	v11 =	vadd.f32 $4.352500000e+03, v60;
	v12 =	vadd.f32 $4.352500000e+03, v61  }
0x3b: {  	v8 =	vadd.f32 $4.352500000e+03, v8;
	v6 =	vmul.f32 v6, v58;
	v5 =	vmax.f32 v5, $0.0e+00  }
0x3c: {  	v7 =	vmax.f32 v7, $0.0e+00;
	v9 =	vmax.f32 v9, $0.0e+00;
	v10 =	vmax.f32 v59, $0.0e+00  }
0x3d: {  	v11 =	vmax.f32 v11, $0.0e+00;
	v12 =	vmax.f32 v12, $0.0e+00;
	v8 =	vmax.f32 v8, $0.0e+00  }
0x3e: {  	v5 =	vmin.f32 v5, $8.704000000e+03;
	v7 =	vmin.f32 v7, $8.704000000e+03;
	v9 =	vmin.f32 v9, $8.704000000e+03  }
0x3f: {  	v10 =	vmin.f32 v10, $8.704000000e+03;
	v6 =	vmul.f32 $1.280000000e+02, v6;
	v5 =	vtrunc.f32 v5  }
0x40: {  	v11 =	vmin.f32 v11, $8.704000000e+03;
	v7 =	vtrunc.f32 v7;
	v5 =	vcvt.f32.s32 v5  }
0x41: {  	v12 =	vmin.f32 v12, $8.704000000e+03;
	v9 =	vtrunc.f32 v9;
	v7 =	vcvt.f32.s32 v7  }
0x42: {  	v10 =	vtrunc.f32 v10;
	v9 =	vcvt.f32.s32 v9;
	v6 =	vadd.f32 $4.352500000e+03, v6  }
0x43: {  	v8 =	vmin.f32 v8, $8.704000000e+03;
	v11 =	vtrunc.f32 v11;
	v10 =	vcvt.f32.s32 v10  }
0x44: {  	v12 =	vtrunc.f32 v12;
	v11 =	vcvt.f32.s32 v11;
	v6 =	vmax.f32 v6, $0.0e+00  }
0x45: {  	v8 =	vtrunc.f32 v8;
	v12 =	vcvt.f32.s32 v12;
	v6 =	vmin.f32 v6, $8.704000000e+03  }
0x46: {  	v8 =	vcvt.f32.s32 v8;
	v6 =	vtrunc.f32 v6;
	v5 =	vld.idx.msk [tilespmem:v5+s16+$0x0], $0xffff  }
0x47: {  	v6 =	vcvt.f32.s32 v6;
	v7 =	vld.idx.msk [tilespmem:v7+s16+$0x0], $0xffff  }
0x48: {  	v9 =	vld.idx.msk [tilespmem:v9+s16+$0x0], $0xffff  }
0x49: {  	v10 =	vld.idx.msk [tilespmem:v10+s16+$0x0], $0xffff  }
0x4a: {  	v11 =	vld.idx.msk [tilespmem:v11+s16+$0x0], $0xffff  }
0x4b: {  	v12 =	vld.idx.msk [tilespmem:v12+s16+$0x0], $0xffff  }
0x4c: {  	v8 =	vld.idx.msk [tilespmem:v8+s16+$0x0], $0xffff  }
0x4d: {  	v6 =	vld.idx.msk [tilespmem:v6+s16+$0x0], $0xffff;
	_ =	sdelay $0x1  }
0x4e: {  	v5 =	vadd.f32 $0.0e+00, v5;
	v7 =	vadd.f32 $0.0e+00, v7  }
0x4f: {  	v9 =	vadd.f32 $0.0e+00, v9;
	v10 =	vadd.f32 $0.0e+00, v10  }
0x50: {  	v11 =	vadd.f32 $0.0e+00, v11;
	v12 =	vadd.f32 $0.0e+00, v12  }
0x51: {  	v8 =	vadd.f32 $0.0e+00, v8;
	v6 =	vadd.f32 $0.0e+00, v6  }
0x52: {  	v5 =	vadd.f32 v7, v5;
	v62 =	vadd.f32 v10, v9  }
0x53: {  	v63 =	vadd.f32 v12, v11;
	v6 =	vadd.f32 v6, v8;
	_ =	sdelay $0x1  }
0x54: {  	v5 =	vadd.f32 v62, v5;
	v6 =	vadd.f32 v6, v63;
	_ =	sdelay $0x1  }
0x55: {  	v5 =	vadd.f32 v6, v5;
	_ =	sdelay $0x1  }
0x56: {  	v5 =	vmul.f32 v5, v0;
	_ =	sdelay $0x1  }
0x57: {  	v4 =	vadd.f32 v5, v4;
	_ =	sdelay $0x1  }
0x58: {  	v1 =	vadd.f32 v1, v2;
	v3 =	vadd.f32 v4, v3;
	_ =	sdelay $0x1  }
0x59: {  	s20 =	sadd.s32 $0x1, s20;
	v1 =	vadd.f32 v3, v1  }
0x5a: {  	p0 =	sne.s32 s20, s12  }
.Ltmp1:
0x5b: {  	[tilespmem:$0x1C200] =	vst v1;
	(pc) =	sbr.rel @!p0 .LBB2_9-.Ltmp1, $4  }
0x5c: {  	[hbm4b:s11+s3] =	stream.linear.scatter [tilespmem:s19], [sflag:$0x3], $0x80, $0x38;
	[tilespmem:$0x1C280] =	vst v63  }
0x5d: {  	_ =	swait.ge [sflag:s15], $0x80  }
0x5e: {  	[sflag:s15] =	ssyncset.done $0x0  }
0x5f: {  	[sflag:s15] =	ssyncadd.s32 $0xFFFFFF80  }
.LBB2_1:
0x60: {  	[tilespmem:s13], [sflag:$0x1] =	stream.linear.gather [hbm4b:s6+s3], $0xB00, $0x38;
	[tilespmem:$0x1C280] =	vst v63  }
0x61: {  	_ = 	snop  }
0x62: {  	[tilespmem:s14], [sflag:$0x2] =	stream.linear.gather [hbm4b:s7+s3], $0xB00, $0x38;
	[tilespmem:$0x1C280] =	vst v63  }
0x63: {  	_ = 	snop  }
0x64: {  	[tilespmem:s3], [sflag:$0x3] =	stream.linear.gather [hbm4b:s4+s3], $0x18800, $0x38;
	[tilespmem:$0x1C280] =	vst v63  }
0x65: {  	_ =	swait.ge [sflag:s15], $0x18800  }
0x66: {  	[sflag:s15] =	ssyncset.done $0x0  }
0x67: {  	[sflag:s15] =	ssyncadd.s32 $0xFFFE7800  }
0x68: {  	[tilespmem:s16], [sflag:$0x3] =	stream.linear.gather [hbm4b:s5+s3], $0x2400, $0x38;
	[tilespmem:$0x1C280] =	vst v63  }
0x69: {  	_ =	swait.ge [sflag:s15], $0x2400  }
0x6a: {  	v1 =	vimm.f32 $0.0e+00;
	[sflag:s15] =	ssyncset.done $0x0  }
0x6b: {  	v2 =	vimm.f32 $0.0e+00;
	v3 =	vimm.f32 $0.0e+00;
	v4 =	vimm.f32 $0.0e+00;
	s21 =	simm.s32 $0x0;
	[sflag:s15] =	ssyncadd.s32 $0xFFFFDC00  }
.LBB2_2:
0x6c: {  	_ =	swait.ge [sflag:s17], $0xB00  }
0x6d: {  	[sflag:s17] =	ssyncset.done $0x0  }
0x6e: {  	s22 =	simm.s32 $0x1AC80;
	[sflag:s17] =	ssyncadd.s32 $0xFFFFF500  }
0x6f: {  	v5 =	vld [tilespmem:s22+$0xFFFFFFC0]  }
0x70: {  	v6 =	vld [tilespmem:s22+$0x40]  }
0x71: {  	v7 =	vld [tilespmem:s22+$0xFFFFFFD0]  }
0x72: {  	v8 =	vld [tilespmem:s22+$0x50]  }
0x73: {  	v9 =	vld [tilespmem:s22+$0xFFFFFFE0]  }
0x74: {  	v10 =	vld [tilespmem:s22+$0x60]  }
0x75: {  	v11 =	vld [tilespmem:s22+$0xFFFFFFF0]  }
0x76: {  	v12 =	vld [tilespmem:s22+$0x70]  }
0x77: {  	v14 =	vld [tilespmem:s22+$0xFFFFFF80]  }
0x78: {  	v15 =	vld [tilespmem:s22+$0x0]  }
0x79: {  	v16 =	vld [tilespmem:s22+$0xFFFFFF90]  }
0x7a: {  	v17 =	vld [tilespmem:s22+$0x10]  }
0x7b: {  	v18 =	vld [tilespmem:s22+$0xFFFFFFA0]  }
0x7c: {  	v19 =	vld [tilespmem:s22+$0x20]  }
0x7d: {  	v20 =	vld [tilespmem:s22+$0xFFFFFFB0]  }
0x7e: {  	v21 =	vld [tilespmem:s22+$0x30]  }
0x7f: {  	v5 =	vld.idx.msk [tilespmem:v5+s3+$0x0], $0xffff  }
0x80: {  	v6 =	vld.idx.msk [tilespmem:v6+s3+$0x0], $0xffff  }
0x81: {  	v7 =	vld.idx.msk [tilespmem:v7+s3+$0x0], $0xffff  }
0x82: {  	v8 =	vld.idx.msk [tilespmem:v8+s3+$0x0], $0xffff  }
0x83: {  	v9 =	vld.idx.msk [tilespmem:v9+s3+$0x0], $0xffff  }
0x84: {  	v10 =	vld.idx.msk [tilespmem:v10+s3+$0x0], $0xffff  }
0x85: {  	v11 =	vld.idx.msk [tilespmem:v11+s3+$0x0], $0xffff  }
0x86: {  	v13 =	vld.idx.msk [tilespmem:v12+s3+$0x0], $0xffff  }
0x87: {  	v12 =	vld.idx.msk [tilespmem:v14+s3+$0x0], $0xffff  }
0x88: {  	v14 =	vld.idx.msk [tilespmem:v15+s3+$0x0], $0xffff  }
0x89: {  	v15 =	vld.idx.msk [tilespmem:v16+s3+$0x0], $0xffff  }
0x8a: {  	v16 =	vld.idx.msk [tilespmem:v17+s3+$0x0], $0xffff  }
0x8b: {  	v17 =	vld.idx.msk [tilespmem:v18+s3+$0x0], $0xffff  }
0x8c: {  	v18 =	vld.idx.msk [tilespmem:v19+s3+$0x0], $0xffff  }
0x8d: {  	v19 =	vld.idx.msk [tilespmem:v20+s3+$0x0], $0xffff  }
0x8e: {  	s23 =	simm.s32 $0x1AD80;
	s22 =	simm.s32 $0x0;
	v20 =	vld.idx.msk [tilespmem:v21+s3+$0x0], $0xffff  }
.LBB2_3:
0x8f: {  	v21 =	vld [tilespmem:s23+$0xFFFFFFC0]  }
0x90: {  	v22 =	vld [tilespmem:s23+$0x40]  }
0x91: {  	v5 =	vmul.f32 v6, v5;
	v6 =	vmul.f32 v8, v7;
	v23 =	vld [tilespmem:s23+$0xFFFFFFD0]  }
0x92: {  	v7 =	vmul.f32 v10, v9;
	v9 =	vmul.f32 v13, v11;
	v8 =	vld [tilespmem:s23+$0x50]  }
0x93: {  	v11 =	vmul.f32 v14, v12;
	v12 =	vmul.f32 v16, v15;
	v10 =	vld [tilespmem:s23+$0xFFFFFFE0]  }
0x94: {  	v14 =	vmul.f32 v18, v17;
	v15 =	vmul.f32 v20, v19;
	v13 =	vld [tilespmem:s23+$0x60]  }
0x95: {  	v5 =	vmul.f32 $1.280000000e+02, v5;
	v6 =	vmul.f32 $1.280000000e+02, v6;
	v16 =	vld [tilespmem:s23+$0xFFFFFFF0]  }
0x96: {  	v7 =	vmul.f32 $1.280000000e+02, v7;
	v9 =	vmul.f32 $1.280000000e+02, v9;
	v17 =	vld [tilespmem:s23+$0x70]  }
0x97: {  	v11 =	vmul.f32 $1.280000000e+02, v11;
	v12 =	vmul.f32 $1.280000000e+02, v12;
	v5 =	vadd.f32 $4.352500000e+03, v5;
	v18 =	vld [tilespmem:s23+$0xFFFFFF80]  }
0x98: {  	v14 =	vmul.f32 $1.280000000e+02, v14;
	v6 =	vadd.f32 $4.352500000e+03, v6;
	v7 =	vadd.f32 $4.352500000e+03, v7;
	v19 =	vld [tilespmem:s23+$0x0]  }
0x99: {  	v11 =	vadd.f32 $4.352500000e+03, v11;
	v9 =	vadd.f32 $4.352500000e+03, v9;
	v15 =	vmul.f32 $1.280000000e+02, v15;
	v20 =	vld [tilespmem:s23+$0xFFFFFF90]  }
0x9a: {  	v12 =	vadd.f32 $4.352500000e+03, v12;
	v14 =	vadd.f32 $4.352500000e+03, v14;
	v24 =	vld [tilespmem:s23+$0x10]  }
0x9b: {  	v5 =	vmax.f32 v5, $0.0e+00;
	v6 =	vmax.f32 v6, $0.0e+00;
	v15 =	vadd.f32 $4.352500000e+03, v15;
	v25 =	vld [tilespmem:s23+$0xFFFFFFA0]  }
0x9c: {  	v11 =	vmax.f32 v11, $0.0e+00;
	v27 =	vmax.f32 v7, $0.0e+00;
	v28 =	vmax.f32 v9, $0.0e+00;
	v26 =	vld [tilespmem:s23+$0x20]  }
0x9d: {  	v7 =	vmax.f32 v12, $0.0e+00;
	v5 =	vmin.f32 v5, $8.704000000e+03;
	v9 =	vmax.f32 v14, $0.0e+00;
	v29 =	vld [tilespmem:s23+$0xFFFFFFB0]  }
0x9e: {  	v6 =	vmin.f32 v6, $8.704000000e+03;
	v14 =	vtrunc.f32 v5;
	v12 =	vmax.f32 v15, $0.0e+00;
	v30 =	vld [tilespmem:s23+$0x30]  }
0x9f: {  	v11 =	vmin.f32 v11, $8.704000000e+03;
	v14 =	vcvt.f32.s32 v14;
	v15 =	vtrunc.f32 v6;
	v5 =	vld.idx.msk [tilespmem:v21+s3+$0x0], $0xffff  }
0xa0: {  	v11 =	vtrunc.f32 v11;
	v15 =	vcvt.f32.s32 v15;
	v21 =	vmin.f32 v7, $8.704000000e+03;
	v6 =	vld.idx.msk [tilespmem:v22+s3+$0x0], $0xffff  }
0xa1: {  	v11 =	vcvt.f32.s32 v11;
	v9 =	vmin.f32 v9, $8.704000000e+03;
	v21 =	vtrunc.f32 v21;
	v7 =	vld.idx.msk [tilespmem:v23+s3+$0x0], $0xffff  }
0xa2: {  	v12 =	vmin.f32 v12, $8.704000000e+03;
	v22 =	vtrunc.f32 v9;
	v21 =	vcvt.f32.s32 v21;
	v8 =	vld.idx.msk [tilespmem:v8+s3+$0x0], $0xffff  }
0xa3: {  	v12 =	vtrunc.f32 v12;
	v22 =	vcvt.f32.s32 v22;
	v23 =	vmin.f32 v27, $8.704000000e+03;
	v9 =	vld.idx.msk [tilespmem:v10+s3+$0x0], $0xffff  }
0xa4: {  	v12 =	vcvt.f32.s32 v12;
	v10 =	vld.idx.msk [tilespmem:v13+s3+$0x0], $0xffff;
	v13 =	vtrunc.f32 v23;
	v23 =	vmin.f32 v28, $8.704000000e+03  }
0xa5: {  	v27 =	vld.idx.msk [tilespmem:v14+s16+$0x0], $0xffff;
	v13 =	vcvt.f32.s32 v13;
	v14 =	vtrunc.f32 v23  }
0xa6: {  	v23 =	vld.idx.msk [tilespmem:v15+s16+$0x0], $0xffff;
	v14 =	vcvt.f32.s32 v14  }
0xa7: {  	v15 =	vld.idx.msk [tilespmem:v11+s16+$0x0], $0xffff  }
0xa8: {  	v21 =	vld.idx.msk [tilespmem:v21+s16+$0x0], $0xffff  }
0xa9: {  	v22 =	vld.idx.msk [tilespmem:v22+s16+$0x0], $0xffff  }
0xaa: {  	v28 =	vld.idx.msk [tilespmem:v12+s16+$0x0], $0xffff  }
0xab: {  	v31 =	vld.idx.msk [tilespmem:v13+s16+$0x0], $0xffff  }
0xac: {  	v32 =	vld.idx.msk [tilespmem:v14+s16+$0x0], $0xffff  }
0xad: {  	v11 =	vld.idx.msk [tilespmem:v16+s3+$0x0], $0xffff  }
0xae: {  	v13 =	vld.idx.msk [tilespmem:v17+s3+$0x0], $0xffff  }
0xaf: {  	v4 =	vadd.f32 v15, v4;
	v3 =	vadd.f32 v21, v3;
	v12 =	vld.idx.msk [tilespmem:v18+s3+$0x0], $0xffff  }
0xb0: {  	s22 =	sadd.s32 $0x2, s22;
	v2 =	vadd.f32 v22, v2;
	v1 =	vadd.f32 v28, v1;
	v14 =	vld.idx.msk [tilespmem:v19+s3+$0x0], $0xffff  }
0xb1: {  	p0 =	slt.u32 s22, $0x14;
	v4 =	vadd.f32 v27, v4;
	v3 =	vadd.f32 v23, v3;
	v15 =	vld.idx.msk [tilespmem:v20+s3+$0x0], $0xffff  }
.Ltmp2:
0xb2: {  	v2 =	vadd.f32 v31, v2;
	v1 =	vadd.f32 v32, v1;
	v16 =	vld.idx.msk [tilespmem:v24+s3+$0x0], $0xffff;
	(pc) =	sbr.rel @p0 .LBB2_3-.Ltmp2, $4  }
0xb3: {  	v17 =	vld.idx.msk [tilespmem:v25+s3+$0x0], $0xffff  }
0xb4: {  	v18 =	vld.idx.msk [tilespmem:v26+s3+$0x0], $0xffff  }
0xb5: {  	v19 =	vld.idx.msk [tilespmem:v29+s3+$0x0], $0xffff  }
0xb6: {  	s23 =	sadd.s32 $0x100, s23;
	v20 =	vld.idx.msk [tilespmem:v30+s3+$0x0], $0xffff  }
0xb7: {  	v5 =	vmul.f32 v6, v5;
	v6 =	vmul.f32 v8, v7  }
0xb8: {  	v7 =	vmul.f32 v10, v9;
	v8 =	vmul.f32 v13, v11  }
0xb9: {  	v9 =	vmul.f32 v14, v12;
	v10 =	vmul.f32 v16, v15  }
0xba: {  	v11 =	vmul.f32 v18, v17;
	v5 =	vmul.f32 $1.280000000e+02, v5  }
0xbb: {  	v6 =	vmul.f32 $1.280000000e+02, v6;
	v7 =	vmul.f32 $1.280000000e+02, v7  }
0xbc: {  	v8 =	vmul.f32 $1.280000000e+02, v8;
	v9 =	vmul.f32 $1.280000000e+02, v9  }
0xbd: {  	v10 =	vmul.f32 $1.280000000e+02, v10;
	v12 =	vmul.f32 v20, v19;
	v5 =	vadd.f32 $4.352500000e+03, v5  }
0xbe: {  	v11 =	vmul.f32 $1.280000000e+02, v11;
	v6 =	vadd.f32 $4.352500000e+03, v6;
	v7 =	vadd.f32 $4.352500000e+03, v7  }
0xbf: {  	v9 =	vadd.f32 $4.352500000e+03, v9;
	v8 =	vadd.f32 $4.352500000e+03, v8  }
0xc0: {  	v10 =	vadd.f32 $4.352500000e+03, v10;
	v12 =	vmul.f32 $1.280000000e+02, v12;
	v11 =	vadd.f32 $4.352500000e+03, v11  }
0xc1: {  	v5 =	vmax.f32 v5, $0.0e+00;
	v6 =	vmax.f32 v6, $0.0e+00;
	v9 =	vmax.f32 v9, $0.0e+00  }
0xc2: {  	v7 =	vmax.f32 v7, $0.0e+00;
	v8 =	vmax.f32 v8, $0.0e+00;
	v10 =	vmax.f32 v10, $0.0e+00  }
0xc3: {  	v5 =	vmin.f32 v5, $8.704000000e+03;
	v6 =	vmin.f32 v6, $8.704000000e+03;
	v9 =	vmin.f32 v9, $8.704000000e+03  }
0xc4: {  	v10 =	vmin.f32 v10, $8.704000000e+03;
	v5 =	vtrunc.f32 v5;
	v6 =	vtrunc.f32 v6  }
0xc5: {  	v12 =	vadd.f32 $4.352500000e+03, v12;
	v9 =	vtrunc.f32 v9;
	v5 =	vcvt.f32.s32 v5  }
0xc6: {  	v11 =	vmax.f32 v11, $0.0e+00;
	v10 =	vtrunc.f32 v10;
	v6 =	vcvt.f32.s32 v6  }
0xc7: {  	v9 =	vcvt.f32.s32 v9;
	v11 =	vmin.f32 v11, $8.704000000e+03;
	v12 =	vmax.f32 v12, $0.0e+00  }
0xc8: {  	v10 =	vcvt.f32.s32 v10;
	v11 =	vtrunc.f32 v11;
	v12 =	vmin.f32 v12, $8.704000000e+03  }
0xc9: {  	v7 =	vmin.f32 v7, $8.704000000e+03;
	v11 =	vcvt.f32.s32 v11;
	v12 =	vtrunc.f32 v12  }
0xca: {  	v8 =	vmin.f32 v8, $8.704000000e+03;
	v7 =	vtrunc.f32 v7;
	v12 =	vcvt.f32.s32 v12  }
0xcb: {  	v19 =	vld.idx.msk [tilespmem:v5+s16+$0x0], $0xffff;
	v5 =	vcvt.f32.s32 v7;
	v7 =	vtrunc.f32 v8  }
0xcc: {  	p0 =	seq.s32 s21, $0x46;
	v20 =	vld.idx.msk [tilespmem:v6+s16+$0x0], $0xffff;
	v6 =	vcvt.f32.s32 v7  }
0xcd: {  	s22 =	smul.u32 @!p0 $0x1600, s21;
	v17 =	vld.idx.msk [tilespmem:v9+s16+$0x0], $0xffff  }
0xce: {  	v18 =	vld.idx.msk [tilespmem:v10+s16+$0x0], $0xffff  }
0xcf: {  	s22 =	sadd.s32 @!p0 s22, s8;
	v21 =	vld.idx.msk [tilespmem:v11+s16+$0x0], $0xffff  }
0xd0: {  	s22 =	sshrl.u32 @!p0 s22, $0x3;
	v22 =	vld.idx.msk [tilespmem:v12+s16+$0x0], $0xffff  }
0xd1: {  	s23 =	simm.s32 @!p0 $0x0;
	s24 =	simm.s32 @!p0 $0x1AC00;
	s22 =	sadd.s32 @!p0 s2, s22;
	v23 =	vld.idx.msk [tilespmem:v5+s16+$0x0], $0xffff  }
0xd2: {  	v24 =	vld.idx.msk [tilespmem:v6+s16+$0x0], $0xffff;
	[tilespmem:s24], [sflag:$0x1] =	stream.linear.gather @!p0 [hbm4b:s22+s23], $0xB00, $0x38  }
0xd3: {  	_ =	swait.ge [sflag:s18], $0xB00  }
0xd4: {  	[sflag:s18] =	ssyncset.done $0x0  }
0xd5: {  	s31 =	simm.s32 $0x1B780;
	[sflag:s18] =	ssyncadd.s32 $0xFFFFF500  }
0xd6: {  	v5 =	vld [tilespmem:s31+$0xFFFFFFC0]  }
0xd7: {  	v6 =	vld [tilespmem:s31+$0x40]  }
0xd8: {  	v7 =	vld [tilespmem:s31+$0xFFFFFFD0]  }
0xd9: {  	v8 =	vld [tilespmem:s31+$0x50]  }
0xda: {  	v9 =	vld [tilespmem:s31+$0xFFFFFFE0]  }
0xdb: {  	v10 =	vld [tilespmem:s31+$0x60]  }
0xdc: {  	v11 =	vld [tilespmem:s31+$0xFFFFFFF0]  }
0xdd: {  	v12 =	vld [tilespmem:s31+$0x70]  }
0xde: {  	v14 =	vld [tilespmem:s31+$0xFFFFFF80]  }
0xdf: {  	v15 =	vld [tilespmem:s31+$0x0]  }
0xe0: {  	v16 =	vld [tilespmem:s31+$0xFFFFFF90]  }
0xe1: {  	v25 =	vld [tilespmem:s31+$0x10]  }
0xe2: {  	v26 =	vld [tilespmem:s31+$0xFFFFFFA0]  }
0xe3: {  	v27 =	vld [tilespmem:s31+$0x20]  }
0xe4: {  	v28 =	vld [tilespmem:s31+$0xFFFFFFB0]  }
0xe5: {  	v29 =	vld [tilespmem:s31+$0x30]  }
0xe6: {  	v5 =	vld.idx.msk [tilespmem:v5+s3+$0x0], $0xffff  }
0xe7: {  	v6 =	vld.idx.msk [tilespmem:v6+s3+$0x0], $0xffff  }
0xe8: {  	v7 =	vld.idx.msk [tilespmem:v7+s3+$0x0], $0xffff  }
0xe9: {  	v8 =	vld.idx.msk [tilespmem:v8+s3+$0x0], $0xffff  }
0xea: {  	v9 =	vld.idx.msk [tilespmem:v9+s3+$0x0], $0xffff  }
0xeb: {  	v10 =	vld.idx.msk [tilespmem:v10+s3+$0x0], $0xffff  }
0xec: {  	v11 =	vld.idx.msk [tilespmem:v11+s3+$0x0], $0xffff  }
0xed: {  	v13 =	vld.idx.msk [tilespmem:v12+s3+$0x0], $0xffff  }
0xee: {  	v12 =	vld.idx.msk [tilespmem:v14+s3+$0x0], $0xffff  }
0xef: {  	v14 =	vld.idx.msk [tilespmem:v15+s3+$0x0], $0xffff  }
0xf0: {  	v15 =	vld.idx.msk [tilespmem:v16+s3+$0x0], $0xffff  }
0xf1: {  	v16 =	vld.idx.msk [tilespmem:v25+s3+$0x0], $0xffff  }
0xf2: {  	v4 =	vadd.f32 v17, v4;
	v3 =	vadd.f32 v18, v3;
	v17 =	vld.idx.msk [tilespmem:v26+s3+$0x0], $0xffff  }
0xf3: {  	v21 =	vadd.f32 v21, v2;
	v22 =	vadd.f32 v22, v1;
	v18 =	vld.idx.msk [tilespmem:v27+s3+$0x0], $0xffff  }
0xf4: {  	v2 =	vadd.f32 v20, v3;
	v1 =	vadd.f32 v19, v4;
	v19 =	vld.idx.msk [tilespmem:v28+s3+$0x0], $0xffff  }
0xf5: {  	s22 =	simm.s32 $0x0;
	s23 =	simm.s32 $0x1B880;
	v3 =	vadd.f32 v23, v21;
	v4 =	vadd.f32 v24, v22;
	v20 =	vld.idx.msk [tilespmem:v29+s3+$0x0], $0xffff  }
.LBB2_5:
0xf6: {  	v21 =	vld [tilespmem:s23+$0xFFFFFFC0]  }
0xf7: {  	v22 =	vld [tilespmem:s23+$0x40]  }
0xf8: {  	v5 =	vmul.f32 v6, v5;
	v6 =	vmul.f32 v8, v7;
	v23 =	vld [tilespmem:s23+$0xFFFFFFD0]  }
0xf9: {  	v7 =	vmul.f32 v10, v9;
	v9 =	vmul.f32 v13, v11;
	v8 =	vld [tilespmem:s23+$0x50]  }
0xfa: {  	v11 =	vmul.f32 v14, v12;
	v12 =	vmul.f32 v16, v15;
	v10 =	vld [tilespmem:s23+$0xFFFFFFE0]  }
0xfb: {  	v14 =	vmul.f32 v18, v17;
	v15 =	vmul.f32 v20, v19;
	v13 =	vld [tilespmem:s23+$0x60]  }
0xfc: {  	v5 =	vmul.f32 $1.280000000e+02, v5;
	v6 =	vmul.f32 $1.280000000e+02, v6;
	v16 =	vld [tilespmem:s23+$0xFFFFFFF0]  }
0xfd: {  	v7 =	vmul.f32 $1.280000000e+02, v7;
	v9 =	vmul.f32 $1.280000000e+02, v9;
	v17 =	vld [tilespmem:s23+$0x70]  }
0xfe: {  	v11 =	vmul.f32 $1.280000000e+02, v11;
	v12 =	vmul.f32 $1.280000000e+02, v12;
	v5 =	vadd.f32 $4.352500000e+03, v5;
	v18 =	vld [tilespmem:s23+$0xFFFFFF80]  }
0xff: {  	v14 =	vmul.f32 $1.280000000e+02, v14;
	v6 =	vadd.f32 $4.352500000e+03, v6;
	v7 =	vadd.f32 $4.352500000e+03, v7;
	v19 =	vld [tilespmem:s23+$0x0]  }
0x100: {  	v11 =	vadd.f32 $4.352500000e+03, v11;
	v9 =	vadd.f32 $4.352500000e+03, v9;
	v15 =	vmul.f32 $1.280000000e+02, v15;
	v20 =	vld [tilespmem:s23+$0xFFFFFF90]  }
0x101: {  	v12 =	vadd.f32 $4.352500000e+03, v12;
	v14 =	vadd.f32 $4.352500000e+03, v14;
	v24 =	vld [tilespmem:s23+$0x10]  }
0x102: {  	v5 =	vmax.f32 v5, $0.0e+00;
	v6 =	vmax.f32 v6, $0.0e+00;
	v15 =	vadd.f32 $4.352500000e+03, v15;
	v25 =	vld [tilespmem:s23+$0xFFFFFFA0]  }
0x103: {  	v11 =	vmax.f32 v11, $0.0e+00;
	v27 =	vmax.f32 v7, $0.0e+00;
	v28 =	vmax.f32 v9, $0.0e+00;
	v26 =	vld [tilespmem:s23+$0x20]  }
0x104: {  	v7 =	vmax.f32 v12, $0.0e+00;
	v5 =	vmin.f32 v5, $8.704000000e+03;
	v9 =	vmax.f32 v14, $0.0e+00;
	v29 =	vld [tilespmem:s23+$0xFFFFFFB0]  }
0x105: {  	v6 =	vmin.f32 v6, $8.704000000e+03;
	v14 =	vtrunc.f32 v5;
	v12 =	vmax.f32 v15, $0.0e+00;
	v30 =	vld [tilespmem:s23+$0x30]  }
0x106: {  	v11 =	vmin.f32 v11, $8.704000000e+03;
	v14 =	vcvt.f32.s32 v14;
	v15 =	vtrunc.f32 v6;
	v5 =	vld.idx.msk [tilespmem:v21+s3+$0x0], $0xffff  }
0x107: {  	v11 =	vtrunc.f32 v11;
	v15 =	vcvt.f32.s32 v15;
	v21 =	vmin.f32 v7, $8.704000000e+03;
	v6 =	vld.idx.msk [tilespmem:v22+s3+$0x0], $0xffff  }
0x108: {  	v11 =	vcvt.f32.s32 v11;
	v9 =	vmin.f32 v9, $8.704000000e+03;
	v21 =	vtrunc.f32 v21;
	v7 =	vld.idx.msk [tilespmem:v23+s3+$0x0], $0xffff  }
0x109: {  	v12 =	vmin.f32 v12, $8.704000000e+03;
	v22 =	vtrunc.f32 v9;
	v21 =	vcvt.f32.s32 v21;
	v8 =	vld.idx.msk [tilespmem:v8+s3+$0x0], $0xffff  }
0x10a: {  	v12 =	vtrunc.f32 v12;
	v22 =	vcvt.f32.s32 v22;
	v23 =	vmin.f32 v27, $8.704000000e+03;
	v9 =	vld.idx.msk [tilespmem:v10+s3+$0x0], $0xffff  }
0x10b: {  	v12 =	vcvt.f32.s32 v12;
	v10 =	vld.idx.msk [tilespmem:v13+s3+$0x0], $0xffff;
	v13 =	vtrunc.f32 v23;
	v23 =	vmin.f32 v28, $8.704000000e+03  }
0x10c: {  	v27 =	vld.idx.msk [tilespmem:v14+s16+$0x0], $0xffff;
	v13 =	vcvt.f32.s32 v13;
	v14 =	vtrunc.f32 v23  }
0x10d: {  	v23 =	vld.idx.msk [tilespmem:v15+s16+$0x0], $0xffff;
	v14 =	vcvt.f32.s32 v14  }
0x10e: {  	v15 =	vld.idx.msk [tilespmem:v11+s16+$0x0], $0xffff  }
0x10f: {  	v21 =	vld.idx.msk [tilespmem:v21+s16+$0x0], $0xffff  }
0x110: {  	v22 =	vld.idx.msk [tilespmem:v22+s16+$0x0], $0xffff  }
0x111: {  	v28 =	vld.idx.msk [tilespmem:v12+s16+$0x0], $0xffff  }
0x112: {  	v31 =	vld.idx.msk [tilespmem:v13+s16+$0x0], $0xffff  }
0x113: {  	v32 =	vld.idx.msk [tilespmem:v14+s16+$0x0], $0xffff  }
0x114: {  	v11 =	vld.idx.msk [tilespmem:v16+s3+$0x0], $0xffff  }
0x115: {  	v13 =	vld.idx.msk [tilespmem:v17+s3+$0x0], $0xffff  }
0x116: {  	v1 =	vadd.f32 v15, v1;
	v2 =	vadd.f32 v21, v2;
	v12 =	vld.idx.msk [tilespmem:v18+s3+$0x0], $0xffff  }
0x117: {  	s22 =	sadd.s32 $0x2, s22;
	v3 =	vadd.f32 v22, v3;
	v4 =	vadd.f32 v28, v4;
	v14 =	vld.idx.msk [tilespmem:v19+s3+$0x0], $0xffff  }
0x118: {  	p1 =	slt.u32 s22, $0x14;
	v1 =	vadd.f32 v27, v1;
	v2 =	vadd.f32 v23, v2;
	v15 =	vld.idx.msk [tilespmem:v20+s3+$0x0], $0xffff  }
.Ltmp3:
0x119: {  	v3 =	vadd.f32 v31, v3;
	v4 =	vadd.f32 v32, v4;
	v16 =	vld.idx.msk [tilespmem:v24+s3+$0x0], $0xffff;
	(pc) =	sbr.rel @p1 .LBB2_5-.Ltmp3, $4  }
0x11a: {  	v17 =	vld.idx.msk [tilespmem:v25+s3+$0x0], $0xffff  }
0x11b: {  	v18 =	vld.idx.msk [tilespmem:v26+s3+$0x0], $0xffff  }
0x11c: {  	v19 =	vld.idx.msk [tilespmem:v29+s3+$0x0], $0xffff  }
0x11d: {  	s23 =	sadd.s32 $0x100, s23;
	v20 =	vld.idx.msk [tilespmem:v30+s3+$0x0], $0xffff  }
0x11e: {  	v5 =	vmul.f32 v6, v5;
	v6 =	vmul.f32 v8, v7  }
0x11f: {  	v7 =	vmul.f32 v10, v9;
	v57 =	vmul.f32 v13, v11  }
0x120: {  	v58 =	vmul.f32 v14, v12;
	v59 =	vmul.f32 v16, v15  }
0x121: {  	v60 =	vmul.f32 v18, v17;
	v5 =	vmul.f32 $1.280000000e+02, v5  }
0x122: {  	v6 =	vmul.f32 $1.280000000e+02, v6;
	v7 =	vmul.f32 $1.280000000e+02, v7  }
0x123: {  	v8 =	vmul.f32 $1.280000000e+02, v57;
	v9 =	vmul.f32 $1.280000000e+02, v58  }
0x124: {  	v10 =	vmul.f32 $1.280000000e+02, v59;
	v61 =	vmul.f32 v20, v19;
	v5 =	vadd.f32 $4.352500000e+03, v5  }
0x125: {  	v11 =	vmul.f32 $1.280000000e+02, v60;
	v6 =	vadd.f32 $4.352500000e+03, v6;
	v7 =	vadd.f32 $4.352500000e+03, v7  }
0x126: {  	v9 =	vadd.f32 $4.352500000e+03, v9;
	v8 =	vadd.f32 $4.352500000e+03, v8  }
0x127: {  	v10 =	vadd.f32 $4.352500000e+03, v10;
	v12 =	vmul.f32 $1.280000000e+02, v61;
	v11 =	vadd.f32 $4.352500000e+03, v11  }
0x128: {  	v5 =	vmax.f32 v5, $0.0e+00;
	v6 =	vmax.f32 v6, $0.0e+00;
	v9 =	vmax.f32 v9, $0.0e+00  }
0x129: {  	v7 =	vmax.f32 v7, $0.0e+00;
	v8 =	vmax.f32 v8, $0.0e+00;
	v10 =	vmax.f32 v10, $0.0e+00  }
0x12a: {  	v5 =	vmin.f32 v5, $8.704000000e+03;
	v6 =	vmin.f32 v6, $8.704000000e+03;
	v9 =	vmin.f32 v9, $8.704000000e+03  }
0x12b: {  	v10 =	vmin.f32 v10, $8.704000000e+03;
	v5 =	vtrunc.f32 v5;
	v6 =	vtrunc.f32 v6  }
0x12c: {  	v12 =	vadd.f32 $4.352500000e+03, v12;
	v9 =	vtrunc.f32 v9;
	v5 =	vcvt.f32.s32 v5  }
0x12d: {  	v11 =	vmax.f32 v11, $0.0e+00;
	v10 =	vtrunc.f32 v10;
	v6 =	vcvt.f32.s32 v6  }
0x12e: {  	v9 =	vcvt.f32.s32 v9;
	v11 =	vmin.f32 v11, $8.704000000e+03;
	v12 =	vmax.f32 v12, $0.0e+00  }
0x12f: {  	v10 =	vcvt.f32.s32 v10;
	v11 =	vtrunc.f32 v11;
	v12 =	vmin.f32 v12, $8.704000000e+03  }
0x130: {  	v7 =	vmin.f32 v7, $8.704000000e+03;
	v11 =	vcvt.f32.s32 v11;
	v12 =	vtrunc.f32 v12  }
0x131: {  	v8 =	vmin.f32 v8, $8.704000000e+03;
	v7 =	vtrunc.f32 v7;
	v12 =	vcvt.f32.s32 v12  }
0x132: {  	v8 =	vtrunc.f32 v8;
	v7 =	vcvt.f32.s32 v7;
	v5 =	vld.idx.msk [tilespmem:v5+s16+$0x0], $0xffff  }
0x133: {  	v8 =	vcvt.f32.s32 v8;
	v6 =	vld.idx.msk [tilespmem:v6+s16+$0x0], $0xffff  }
0x134: {  	v9 =	vld.idx.msk [tilespmem:v9+s16+$0x0], $0xffff  }
0x135: {  	v10 =	vld.idx.msk [tilespmem:v10+s16+$0x0], $0xffff  }
0x136: {  	v11 =	vld.idx.msk [tilespmem:v11+s16+$0x0], $0xffff  }
0x137: {  	v12 =	vld.idx.msk [tilespmem:v12+s16+$0x0], $0xffff  }
0x138: {  	v7 =	vld.idx.msk [tilespmem:v7+s16+$0x0], $0xffff  }
0x139: {  	v8 =	vld.idx.msk [tilespmem:v8+s16+$0x0], $0xffff  }
.Ltmp4:
0x13a: {  	_ = 	snop;
	(pc) =	sbr.rel @p0 .LBB2_8-.Ltmp4, $4  }
0x13b: {  	v1 =	vadd.f32 v9, v1;
	v2 =	vadd.f32 v10, v2  }
0x13c: {  	v62 =	vadd.f32 v11, v3;
	v63 =	vadd.f32 v12, v4  }
0x13d: {  	v3 =	vadd.f32 v6, v2;
	v4 =	vadd.f32 v5, v1  }
0x13e: {  	v2 =	vadd.f32 v7, v62;
	v1 =	vadd.f32 v8, v63  }
0x13f: {  	s22 =	smul.u32 $0x1600, s21  }
.Ltmp5:
0x140: {  	_ = 	snop;
	(pc) =	sbr.rel .LBB2_2-.Ltmp5, $4  }
0x141: {  	s22 =	sadd.s32 s22, s9  }
0x142: {  	s22 =	sshrl.u32 s22, $0x3  }
0x143: {  	s21 =	sadd.s32 $0x1, s21;
	s22 =	sadd.s32 s2, s22  }
0x144: {  	[tilespmem:s14], [sflag:$0x2] =	stream.linear.gather [hbm4b:s22+s3], $0xB00, $0x38;
	[tilespmem:$0x1C280] =	vst v63  }
.LBB2_9:
0x145: {  	_ =	sfence.sel $0x180000  }
0x146: {  	[bflag:$0x0] =	sbarrier.arrive $0xFFFF  }
0x147: {  	p0 =	sne.s32 s0, $0x0;
	_ =	strace $0x90000047  }
0x148: {  	s0 =	sadd.s32 @!p0 $0x100000, s1;
	[bflag:$0x2] =	sbarrier.arrive $0xFFFF  }
0x149: {  	[sflag:s0] =	ssyncadd.tile.s32 @!p0 $0x1;
	_ =	shalt  }
.Lfunc_end2:
_tile_overlayer_lowered:
.L_overlay_start_2:
0x14a: {  	(tag) =	ssettag $0x2  }
0x14b: {  	s0 =	rddreg [dreg:$0x0];
	s2 =	stileid.u32  }
0x14c: {  	s1 =	rddreg [dreg:$0x1];
	p0 =	sne.s32 s2, $0x0  }
0x14d: {  	s3 =	rddreg [dreg:$0x2];
	[bflag:$0x3] =	sbarrier.arrive $0xFFFF;
	s2 =	simm.s32 @!p0 $0x1C03  }
0x14e: {  	[timem:s3], [sflag:s2] =	dma.local @!p0 [hbm:s0], s1  }
0x14f: {  	s0 =	simm.s32 @!p0 $0x3  }
0x150: {  	_ =	swait.ge @!p0 [sflag:s0], s1  }
0x151: {  	s1 =	ssub.s32 @!p0 $0x0, s1;
	[sflag:s0] =	ssyncset.done @!p0 $0x0  }
0x152: {  	[sflag:s0] =	ssyncadd.s32 @!p0 s1  }
0x153: {  	[bflag:$0x3] =	sbarrier.arrive $0xFFFF  }
0x154: {  	_ =	shalt  }

</sc_bundles>
